<compile_context>
chip_gen: v7x
topology: tpu7x:2x2x1
jax: 0.10.2.dev20260603
libtpu: 0.0.44.dev20260713+nightly
codegen_flags: <defaults>
</compile_context>

<pallas_src>
import functools

import jax
import jax.numpy as jnp
from jax import lax
from jax.experimental import pallas as pl
from jax.experimental.pallas import tpu as pltpu
from jax.experimental.pallas import tpu_sc as plsc

N_NODES = 10000
N_EDGES = 320000
IN_CH = 128
HID = 128
OUT_CH = 16
KAN_MID = 64
N_COEFF = 8

NC = 2
NS = 16
CHUNK = 80
EDGES_PER_TILE = N_EDGES // (NC * NS)
N_CHUNKS = EDGES_PER_TILE // CHUNK
E_PAD = 327680
CHUNK_CNT = 128
N_CHUNKS_CNT = E_PAD // (NC * NS * CHUNK_CNT)
N_PAD = 10240
ROWS_PER_TILE = N_PAD // NS


def _sc_agg_body(x_hbm, src_hbm, dst_hbm, zrows_hbm,
                 sums_hbm,
                 src_v0, dst_v0, src_v1, dst_v1, rows0, rows1, acc_s,
                 gsem0, gsem1, isem0, isem1):
    c = lax.axis_index("c")
    s = lax.axis_index("s")
    row0 = s * ROWS_PER_TILE
    pltpu.sync_copy(zrows_hbm, acc_s.at[pl.ds(row0, ROWS_PER_TILE)])
    plsc.subcore_barrier()
    ebase = (c * NS + s) * EDGES_PER_TILE

    def idx_drain(sem):
        pltpu.make_async_copy(src_hbm.at[pl.ds(0, CHUNK)], src_v0, sem).wait()
        pltpu.make_async_copy(src_hbm.at[pl.ds(0, CHUNK)], src_v0, sem).wait()

    def g_drain(sem, rows):
        pltpu.make_async_copy(x_hbm.at[pl.ds(0, CHUNK)], rows, sem).wait()

    pltpu.async_copy(src_hbm.at[pl.ds(ebase, CHUNK)], src_v0, isem0)
    pltpu.async_copy(dst_hbm.at[pl.ds(ebase, CHUNK)], dst_v0, isem0)
    pltpu.async_copy(src_hbm.at[pl.ds(ebase + CHUNK, CHUNK)], src_v1, isem1)
    pltpu.async_copy(dst_hbm.at[pl.ds(ebase + CHUNK, CHUNK)], dst_v1, isem1)
    idx_drain(isem0)
    pltpu.async_copy(x_hbm.at[src_v0], rows0, gsem0)

    def pair(p, carry):
        j0 = 2 * p
        g_drain(gsem0, rows0)
        idx_drain(isem1)
        pltpu.async_copy(x_hbm.at[src_v1], rows1, gsem1)
        pltpu.sync_copy(rows0, acc_s.at[dst_v0], add=True)
        off0 = ebase + (j0 + 2) * CHUNK
        pltpu.async_copy(src_hbm.at[pl.ds(off0, CHUNK)], src_v0, isem0)
        pltpu.async_copy(dst_hbm.at[pl.ds(off0, CHUNK)], dst_v0, isem0)
        g_drain(gsem1, rows1)
        idx_drain(isem0)
        pltpu.async_copy(x_hbm.at[src_v0], rows0, gsem0)
        pltpu.sync_copy(rows1, acc_s.at[dst_v1], add=True)
        off1 = ebase + (j0 + 3) * CHUNK
        pltpu.async_copy(src_hbm.at[pl.ds(off1, CHUNK)], src_v1, isem1)
        pltpu.async_copy(dst_hbm.at[pl.ds(off1, CHUNK)], dst_v1, isem1)
        return carry

    lax.fori_loop(0, (N_CHUNKS - 1) // 2, pair, 0)
    g_drain(gsem0, rows0)
    pltpu.sync_copy(rows0, acc_s.at[dst_v0], add=True)
    idx_drain(isem1)
    plsc.subcore_barrier()
    pltpu.sync_copy(acc_s.at[pl.ds(row0, ROWS_PER_TILE)],
                    sums_hbm.at[c, pl.ds(row0, ROWS_PER_TILE)])


def _sc_cnt_body(dst3_hbm, zrows_hbm, ones_hbm,
                 cnt_hbm,
                 dst_all, ones_v, cnt_s, ssem):
    c = lax.axis_index("c")
    s = lax.axis_index("s")
    w = c * NS + s
    row0 = s * ROWS_PER_TILE
    pltpu.sync_copy(zrows_hbm, cnt_s.at[pl.ds(row0, ROWS_PER_TILE)])
    pltpu.sync_copy(ones_hbm, ones_v)
    pltpu.sync_copy(dst3_hbm.at[w], dst_all)
    plsc.subcore_barrier()

    def batch(b, carry):
        j0 = b * 8
        for k in range(8):
            pltpu.async_copy(ones_v, cnt_s.at[dst_all.at[j0 + k]], ssem,
                             add=True)
        for k in range(8):
            pltpu.make_async_copy(ones_hbm, ones_v, ssem).wait()
        return carry

    lax.fori_loop(0, N_CHUNKS_CNT // 8, batch, 0)
    plsc.subcore_barrier()
    pltpu.sync_copy(cnt_s.at[pl.ds(row0, ROWS_PER_TILE)],
                    cnt_hbm.at[c, pl.ds(row0, ROWS_PER_TILE)])


@functools.lru_cache(maxsize=None)
def _sc_kernels():
    mesh = plsc.VectorSubcoreMesh(core_axis_name="c", subcore_axis_name="s",
                                  num_cores=NC, num_subcores=NS)
    agg = pl.kernel(
        _sc_agg_body,
        out_type=jax.ShapeDtypeStruct((NC, N_PAD, HID), jnp.float32),
        mesh=mesh,
        scratch_types=[
            pltpu.VMEM((CHUNK,), jnp.int32),
            pltpu.VMEM((CHUNK,), jnp.int32),
            pltpu.VMEM((CHUNK,), jnp.int32),
            pltpu.VMEM((CHUNK,), jnp.int32),
            pltpu.VMEM((CHUNK, HID), jnp.float32),
            pltpu.VMEM((CHUNK, HID), jnp.float32),
            pltpu.VMEM_SHARED((N_PAD, HID), jnp.float32),
            pltpu.SemaphoreType.DMA,
            pltpu.SemaphoreType.DMA,
            pltpu.SemaphoreType.DMA,
            pltpu.SemaphoreType.DMA,
        ],
    )
    cntk = pl.kernel(
        _sc_cnt_body,
        out_type=jax.ShapeDtypeStruct((NC, N_PAD, HID), jnp.float32),
        mesh=mesh,
        scratch_types=[
            pltpu.VMEM((N_CHUNKS_CNT, CHUNK_CNT), jnp.int32),
            pltpu.VMEM((CHUNK_CNT, HID), jnp.float32),
            pltpu.VMEM_SHARED((N_PAD, HID), jnp.float32),
            pltpu.SemaphoreType.DMA,
        ],
    )
    return agg, cntk



ROW_BLK = 1024
N_BLKS = N_PAD // ROW_BLK


def _combine_body(sums_ref, cnt_ref, x_ref, wlT_ref, b_ref, wrT_ref, o_ref):
    sm = sums_ref[0] + sums_ref[1]
    c = cnt_ref[0, :, :1] + cnt_ref[1, :, :1]
    mean = sm / jnp.maximum(c, 1.0)
    h = (jnp.dot(mean, wlT_ref[...], preferred_element_type=jnp.float32)
         + b_ref[...]
         + jnp.dot(x_ref[...], wrT_ref[...], preferred_element_type=jnp.float32))
    o_ref[...] = jnp.maximum(h, 0.0)


def _combine(sums, cnt, x, wlT, b_row, wrT):
    return pl.pallas_call(
        _combine_body,
        grid=(N_BLKS,),
        in_specs=[
            pl.BlockSpec((NC, ROW_BLK, HID), lambda i: (0, i, 0)),
            pl.BlockSpec((NC, ROW_BLK, HID), lambda i: (0, i, 0)),
            pl.BlockSpec((ROW_BLK, IN_CH), lambda i: (i, 0)),
            pl.BlockSpec((IN_CH, HID), lambda i: (0, 0)),
            pl.BlockSpec((1, HID), lambda i: (0, 0)),
            pl.BlockSpec((IN_CH, HID), lambda i: (0, 0)),
        ],
        out_specs=pl.BlockSpec((ROW_BLK, HID), lambda i: (i, 0)),
        out_shape=jax.ShapeDtypeStruct((N_PAD, HID), jnp.float32),
    )(sums, cnt, x, wlT, b_row, wrT)


def _spline_mix(h, swT_ref, ssT_ref, out_width):
    u = h * 2.5 + 5.5
    mf = jnp.floor(u)
    t = u - mf
    t2 = t * t
    t3 = t2 * t
    w = 1.0 - t
    seg0 = t3 * (1.0 / 6.0)
    seg1 = (-3.0 * t3 + 3.0 * t2 + 3.0 * t + 1.0) * (1.0 / 6.0)
    seg2 = (3.0 * t3 - 6.0 * t2 + 4.0) * (1.0 / 6.0)
    seg3 = (w * w * w) * (1.0 / 6.0)
    ss = ssT_ref[...]
    acc = jnp.zeros((h.shape[0], out_width), jnp.float32)
    for j in range(N_COEFF):
        d = mf - float(j)
        bj = jnp.where(
            d == 0.0, seg0,
            jnp.where(d == 1.0, seg1,
                      jnp.where(d == 2.0, seg2,
                                jnp.where(d == 3.0, seg3, 0.0))))
        acc = acc + jnp.dot(bj, swT_ref[j] * ss,
                            preferred_element_type=jnp.float32)
    return acc


def _silu(v):
    return v / (1.0 + jnp.exp(-v))


def _kan_body(h_ref, bw1T_ref, sw1T_ref, ss1T_ref, bw2T_ref, sw2T_ref,
              ss2T_ref, o_ref):
    h = h_ref[...]
    mid = jnp.dot(_silu(h), bw1T_ref[...], preferred_element_type=jnp.float32)
    mid = mid + _spline_mix(h, sw1T_ref, ss1T_ref, KAN_MID)
    out = jnp.dot(_silu(mid), bw2T_ref[...], preferred_element_type=jnp.float32)
    out = out + _spline_mix(mid, sw2T_ref, ss2T_ref, OUT_CH)
    o_ref[...] = out


def _kan(h, bw1T, sw1T, ss1T, bw2T, sw2T, ss2T):
    return pl.pallas_call(
        _kan_body,
        grid=(N_BLKS,),
        in_specs=[
            pl.BlockSpec((ROW_BLK, HID), lambda i: (i, 0)),
            pl.BlockSpec((HID, KAN_MID), lambda i: (0, 0)),
            pl.BlockSpec((N_COEFF, HID, KAN_MID), lambda i: (0, 0, 0)),
            pl.BlockSpec((HID, KAN_MID), lambda i: (0, 0)),
            pl.BlockSpec((KAN_MID, OUT_CH), lambda i: (0, 0)),
            pl.BlockSpec((N_COEFF, KAN_MID, OUT_CH), lambda i: (0, 0, 0)),
            pl.BlockSpec((KAN_MID, OUT_CH), lambda i: (0, 0)),
        ],
        out_specs=pl.BlockSpec((ROW_BLK, OUT_CH), lambda i: (i, 0)),
        out_shape=jax.ShapeDtypeStruct((N_PAD, OUT_CH), jnp.float32),
    )(h, bw1T, sw1T, ss1T, bw2T, sw2T, ss2T)


def kernel(x, edge_index, W1l, b1, W1r, W2l, b2, W2r, bw1, sw1, ss1,
           bw2, sw2, ss2):
    ei = edge_index.astype(jnp.int32)
    xp = jnp.concatenate([x, jnp.zeros((N_PAD - N_NODES, IN_CH), jnp.float32)])
    zrows = jnp.zeros((ROWS_PER_TILE, HID), jnp.float32)
    ones128 = jnp.ones((CHUNK_CNT, HID), jnp.float32)

    sc_agg, sc_cnt = _sc_kernels()
    pad = E_PAD - N_EDGES
    dst3 = jnp.concatenate([ei[1], jnp.full((pad,), N_NODES, jnp.int32)]
                           ).reshape(NC * NS, N_CHUNKS_CNT, CHUNK_CNT)
    slack = jnp.full((CHUNK,), N_NODES, jnp.int32)
    srcf = jnp.concatenate([ei[0], slack])
    dstf = jnp.concatenate([ei[1], slack])
    cnt = sc_cnt(dst3, zrows, ones128)
    sums1 = sc_agg(xp, srcf, dstf, zrows)
    h1 = _combine(sums1, cnt, xp, W1l.T, b1.reshape(1, HID), W1r.T)
    sums2 = sc_agg(h1, srcf, dstf, zrows)
    h2 = _combine(sums2, cnt, h1, W2l.T, b2.reshape(1, HID), W2r.T)
    out = _kan(h2, bw1.T, jnp.transpose(sw1, (2, 1, 0)), ss1.T,
               bw2.T, jnp.transpose(sw2, (2, 1, 0)), ss2.T)
    return out[:N_NODES]

# --- scband reference (transcript-rebuilt; emitter-appended) ---
"""Pipeline reference for scband-kanguard-45921790329237 (READ-ONLY COPY).

The authoritative reference and input builder live on the scoring server;
editing this copy changes nothing except your own understanding.
"""

import jax, jax.numpy as jnp
import numpy as np

GRID_SIZE = 5
SPLINE_ORDER = 3
N_NODES = 10000
N_EDGES = 320000
IN_CH = 128
HID = 128
OUT_CH = 16
KAN_MID = 64
N_COEFF = GRID_SIZE + SPLINE_ORDER


def make_grid(in_features):
    h = 2.0 / GRID_SIZE
    g = jnp.arange(-SPLINE_ORDER, GRID_SIZE + SPLINE_ORDER + 1, dtype=jnp.float32) * h - 1.0
    return jnp.tile(g[None, :], (in_features, 1))


def b_splines(x, grid):
    # x: (N, in), grid: (in, G + 2k + 1) -> (N, in, G + k)
    xe = x[:, :, None]
    bases = ((xe >= grid[None, :, :-1]) & (xe < grid[None, :, 1:])).astype(x.dtype)
    for k in range(1, SPLINE_ORDER + 1):
        bases = (
            (xe - grid[None, :, :-(k + 1)])
            / (grid[None, :, k:-1] - grid[None, :, :-(k + 1)])
            * bases[:, :, :-1]
        ) + (
            (grid[None, :, k + 1:] - xe)
            / (grid[None, :, k + 1:] - grid[None, :, 1:-k])
            * bases[:, :, 1:]
        )
    return bases


def kan_linear(x, grid, base_w, spline_w, spline_scaler):
    # efficient-kan KANLinear (enable_standalone_scale_spline=True)
    base_out = jax.nn.silu(x) @ base_w.T
    sw = spline_w * spline_scaler[:, :, None]
    bases = b_splines(x, grid)
    spline_out = jnp.einsum('nic,oic->no', bases, sw)
    return base_out + spline_out


def sage_conv(x, src, dst, Wl, bl, Wr):
    # PyG SAGEConv with mean aggregation: lin_l(mean_{j->i} x_j) + lin_r(x_i)
    n = x.shape[0]
    msgs = x[src]
    s = jax.ops.segment_sum(msgs, dst, num_segments=n)
    c = jax.ops.segment_sum(jnp.ones((src.shape[0],), x.dtype), dst, num_segments=n)
    mean = s / jnp.maximum(c, 1.0)[:, None]
    return mean @ Wl.T + bl[None, :] + x @ Wr.T


def setup_inputs(seed: int = 0) -> dict:
    key = jax.random.key(seed)
    ks = jax.random.split(key, 16)
    x = jax.random.normal(ks[0], (N_NODES, IN_CH), dtype=jnp.float32)
    edge_index = jax.random.randint(ks[1], (2, N_EDGES), 0, N_NODES, dtype=jnp.int64 if jax.config.jax_enable_x64 else jnp.int32)
    W1l = jax.random.normal(ks[2], (HID, IN_CH), dtype=jnp.float32) * 0.05
    b1 = jnp.zeros((HID,), dtype=jnp.float32)
    W1r = jax.random.normal(ks[3], (HID, IN_CH), dtype=jnp.float32) * 0.05
    W2l = jax.random.normal(ks[4], (HID, HID), dtype=jnp.float32) * 0.05
    b2 = jnp.zeros((HID,), dtype=jnp.float32)
    W2r = jax.random.normal(ks[5], (HID, HID), dtype=jnp.float32) * 0.05
    bw1 = jax.random.normal(ks[6], (KAN_MID, HID), dtype=jnp.float32) * 0.05
    sw1 = jax.random.normal(ks[7], (KAN_MID, HID, N_COEFF), dtype=jnp.float32) * 0.05
    ss1 = jnp.ones((KAN_MID, HID), dtype=jnp.float32)
    bw2 = jax.random.normal(ks[8], (OUT_CH, KAN_MID), dtype=jnp.float32) * 0.05
    sw2 = jax.random.normal(ks[9], (OUT_CH, KAN_MID, N_COEFF), dtype=jnp.float32) * 0.05
    ss2 = jnp.ones((OUT_CH, KAN_MID), dtype=jnp.float32)
    return {
        'x': x, 'edge_index': edge_index,
        'W1l': W1l, 'b1': b1, 'W1r': W1r,
        'W2l': W2l, 'b2': b2, 'W2r': W2r,
        'bw1': bw1, 'sw1': sw1, 'ss1': ss1,
        'bw2': bw2, 'sw2': sw2, 'ss2': ss2,
    }


def reference(x, edge_index, W1l, b1, W1r, W2l, b2, W2r, bw1, sw1, ss1, bw2, sw2, ss2):
    src = edge_index[0]
    dst = edge_index[1]
    h = jax.nn.relu(sage_conv(x, src, dst, W1l, b1, W1r))
    # dropout is identity in eval mode
    h = jax.nn.relu(sage_conv(h, src, dst, W2l, b2, W2r))
    grid1 = make_grid(HID)
    grid2 = make_grid(KAN_MID)
    h = kan_linear(h, grid1, bw1, sw1, ss1)
    out = kan_linear(h, grid2, bw2, sw2, ss2)
    return out

if __name__ == "__main__":
    import jax
    _d = setup_inputs()
    print(jax.jit(kernel)(*tuple(_d.values())))

</pallas_src>

<mosaic_0001>
#map = affine_map<(d0, d1) -> (0, 0)>
#map1 = affine_map<(d0, d1) -> (0)>
#map2 = affine_map<(d0, d1) -> (0, 0, 0)>
module attributes {stable_mosaic.version = 14 : i64} {
  func.func @_sc_agg_body(%arg0: i32, %arg1: i32, %arg2: memref<10240x128xf32, #tpu.memory_space<hbm>>, %arg3: memref<320080xi32, #tpu.memory_space<hbm>>, %arg4: memref<320080xi32, #tpu.memory_space<hbm>>, %arg5: memref<640x128xf32, #tpu.memory_space<hbm>>, %arg6: memref<2x10240x128xf32, #tpu.memory_space<hbm>>, %arg7: memref<80xi32, #tpu.memory_space<vmem>>, %arg8: memref<80xi32, #tpu.memory_space<vmem>>, %arg9: memref<80xi32, #tpu.memory_space<vmem>>, %arg10: memref<80xi32, #tpu.memory_space<vmem>>, %arg11: memref<80x128xf32, #tpu.memory_space<vmem>>, %arg12: memref<80x128xf32, #tpu.memory_space<vmem>>, %arg13: memref<10240x128xf32, #tpu.memory_space<vmem_shared>>, %arg14: memref<!tpu.dma_semaphore, #tpu.memory_space<semaphore_mem>>, %arg15: memref<!tpu.dma_semaphore, #tpu.memory_space<semaphore_mem>>, %arg16: memref<!tpu.dma_semaphore, #tpu.memory_space<semaphore_mem>>, %arg17: memref<!tpu.dma_semaphore, #tpu.memory_space<semaphore_mem>>) attributes {dimension_semantics = [#tpu.dimension_semantics<core_parallel>, #tpu.dimension_semantics<subcore_parallel>], iteration_bounds = array<i64: 2, 16>, scalar_prefetch = 0 : i64, scratch_operands = 11 : i64, tpu.core_type = #tpu.core_type<sc_vector_subcore>, window_params = [{transform_indices = #map}, {transform_indices = #map1}, {transform_indices = #map1}, {transform_indices = #map}, {transform_indices = #map2}]} {
    %mul3A = arith.constant 640 : i32
    %mul3A_0 = arith.muli %arg1, %mul3A : i32
    "tpu.region"() ({
      %run_scoped3A = tpu.sem_alloc : memref<!tpu.dma_semaphore, #tpu.memory_space<semaphore_mem>>
      %dma_start3A_46 = arith.constant 0 : i32
      %dma_start3A_47 = tpu.memref_slice %arg13[%mul3A_0, %dma_start3A_46] : memref<10240x128xf32, #tpu.memory_space<vmem_shared>> -> memref<640x128xf32, #tpu.memory_space<vmem_shared>>
      tpu.enqueue_dma source(%arg5 : memref<640x128xf32, #tpu.memory_space<hbm>>) target(%dma_start3A_47 : memref<640x128xf32, #tpu.memory_space<vmem_shared>>) target_semaphore(%run_scoped3A : memref<!tpu.dma_semaphore, #tpu.memory_space<semaphore_mem>>)
      %dma_wait3A_48 = arith.constant 0 : i32
      %dma_wait3A_49 = tpu.memref_slice %arg13[%mul3A_0, %dma_wait3A_48] : memref<10240x128xf32, #tpu.memory_space<vmem_shared>> -> memref<640x128xf32, #tpu.memory_space<vmem_shared>>
      tpu.wait_dma2 semaphore(%run_scoped3A : memref<!tpu.dma_semaphore, #tpu.memory_space<semaphore_mem>>) src(%arg5 : memref<640x128xf32, #tpu.memory_space<hbm>>) dst(%dma_wait3A_49 : memref<640x128xf32, #tpu.memory_space<vmem_shared>>)
      tpu.yield
    }) : () -> ()
    %barrier3A = arith.constant 0 : index
    tpu.barrier barrier_id(%barrier3A)
    %mul3A_1 = arith.constant 16 : i32
    %mul3A_2 = arith.muli %arg0, %mul3A_1 : i32
    %add3A = arith.addi %mul3A_2, %arg1 : i32
    %mul3A_3 = arith.constant 10000 : i32
    %mul3A_4 = arith.muli %add3A, %mul3A_3 : i32
    %dma_start3A = tpu.memref_slice %arg3[%mul3A_4] : memref<320080xi32, #tpu.memory_space<hbm>> -> memref<80xi32, #tpu.memory_space<hbm>>
    %dma_start3A_5 = tpu.memref_slice %arg3[%mul3A_4] : memref<320080xi32, #tpu.memory_space<hbm>> -> memref<80xi32, #tpu.memory_space<hbm>>
    tpu.enqueue_dma source(%dma_start3A_5 : memref<80xi32, #tpu.memory_space<hbm>>) target(%arg7 : memref<80xi32, #tpu.memory_space<vmem>>) target_semaphore(%arg16 : memref<!tpu.dma_semaphore, #tpu.memory_space<semaphore_mem>>)
    %dma_start3A_6 = tpu.memref_slice %arg4[%mul3A_4] : memref<320080xi32, #tpu.memory_space<hbm>> -> memref<80xi32, #tpu.memory_space<hbm>>
    %dma_start3A_7 = tpu.memref_slice %arg4[%mul3A_4] : memref<320080xi32, #tpu.memory_space<hbm>> -> memref<80xi32, #tpu.memory_space<hbm>>
    tpu.enqueue_dma source(%dma_start3A_7 : memref<80xi32, #tpu.memory_space<hbm>>) target(%arg8 : memref<80xi32, #tpu.memory_space<vmem>>) target_semaphore(%arg16 : memref<!tpu.dma_semaphore, #tpu.memory_space<semaphore_mem>>)
    %add3A_8 = arith.constant 80 : i32
    %add3A_9 = arith.addi %mul3A_4, %add3A_8 : i32
    %dma_start3A_10 = tpu.memref_slice %arg3[%add3A_9] : memref<320080xi32, #tpu.memory_space<hbm>> -> memref<80xi32, #tpu.memory_space<hbm>>
    %dma_start3A_11 = tpu.memref_slice %arg3[%add3A_9] : memref<320080xi32, #tpu.memory_space<hbm>> -> memref<80xi32, #tpu.memory_space<hbm>>
    tpu.enqueue_dma source(%dma_start3A_11 : memref<80xi32, #tpu.memory_space<hbm>>) target(%arg9 : memref<80xi32, #tpu.memory_space<vmem>>) target_semaphore(%arg17 : memref<!tpu.dma_semaphore, #tpu.memory_space<semaphore_mem>>)
    %add3A_12 = arith.constant 80 : i32
    %add3A_13 = arith.addi %mul3A_4, %add3A_12 : i32
    %dma_start3A_14 = tpu.memref_slice %arg4[%add3A_13] : memref<320080xi32, #tpu.memory_space<hbm>> -> memref<80xi32, #tpu.memory_space<hbm>>
    %dma_start3A_15 = tpu.memref_slice %arg4[%add3A_13] : memref<320080xi32, #tpu.memory_space<hbm>> -> memref<80xi32, #tpu.memory_space<hbm>>
    tpu.enqueue_dma source(%dma_start3A_15 : memref<80xi32, #tpu.memory_space<hbm>>) target(%arg10 : memref<80xi32, #tpu.memory_space<vmem>>) target_semaphore(%arg17 : memref<!tpu.dma_semaphore, #tpu.memory_space<semaphore_mem>>)
    %dma_wait3A = arith.constant 0 : i32
    %dma_wait3A_16 = tpu.memref_slice %arg3[%dma_wait3A] : memref<320080xi32, #tpu.memory_space<hbm>> -> memref<80xi32, #tpu.memory_space<hbm>>
    %dma_wait3A_17 = arith.constant 0 : i32
    %dma_wait3A_18 = tpu.memref_slice %arg3[%dma_wait3A_17] : memref<320080xi32, #tpu.memory_space<hbm>> -> memref<80xi32, #tpu.memory_space<hbm>>
    tpu.wait_dma2 semaphore(%arg16 : memref<!tpu.dma_semaphore, #tpu.memory_space<semaphore_mem>>) src(%dma_wait3A_18 : memref<80xi32, #tpu.memory_space<hbm>>) dst(%arg7 : memref<80xi32, #tpu.memory_space<vmem>>)
    %dma_wait3A_19 = arith.constant 0 : i32
    %dma_wait3A_20 = tpu.memref_slice %arg3[%dma_wait3A_19] : memref<320080xi32, #tpu.memory_space<hbm>> -> memref<80xi32, #tpu.memory_space<hbm>>
    %dma_wait3A_21 = arith.constant 0 : i32
    %dma_wait3A_22 = tpu.memref_slice %arg3[%dma_wait3A_21] : memref<320080xi32, #tpu.memory_space<hbm>> -> memref<80xi32, #tpu.memory_space<hbm>>
    tpu.wait_dma2 semaphore(%arg16 : memref<!tpu.dma_semaphore, #tpu.memory_space<semaphore_mem>>) src(%dma_wait3A_22 : memref<80xi32, #tpu.memory_space<hbm>>) dst(%arg7 : memref<80xi32, #tpu.memory_space<vmem>>)
    %dma_start3A_23 = arith.constant 0 : i32
    %dma_start3A_24 = arith.constant 0 : i32
    %dma_start3A_25 = tpu.memref_slice %arg2[%dma_start3A_23, %dma_start3A_24] : memref<10240x128xf32, #tpu.memory_space<hbm>> -> memref<10240x128xf32, #tpu.memory_space<hbm>>
    tpu.enqueue_indirect_dma source(%dma_start3A_25 : memref<10240x128xf32, #tpu.memory_space<hbm>>) target(%arg11 : memref<80x128xf32, #tpu.memory_space<vmem>>) offsets(%arg7 : memref<80xi32, #tpu.memory_space<vmem>>) semaphore(%arg14 : memref<!tpu.dma_semaphore, #tpu.memory_space<semaphore_mem>>)
    %scan3A = arith.constant 0 : i32
    %scan3A_26 = arith.constant 0 : i32
    %scan3A_27 = arith.constant 62 : i32
    %scan3A_28 = arith.addi %scan3A_26, %scan3A_27 : i32
    %scan3A_29 = arith.constant 1 : i32
    scf.for %scan3A_46 = %scan3A_26 to %scan3A_28 step %scan3A_29  : i32 {
      %mul3A_47 = arith.constant 2 : i32
      %mul3A_48 = arith.muli %mul3A_47, %scan3A_46 : i32
      %dma_wait3A_49 = arith.constant 0 : i32
      %dma_wait3A_50 = arith.constant 0 : i32
      %dma_wait3A_51 = tpu.memref_slice %arg2[%dma_wait3A_49, %dma_wait3A_50] : memref<10240x128xf32, #tpu.memory_space<hbm>> -> memref<80x128xf32, #tpu.memory_space<hbm>>
      %dma_wait3A_52 = arith.constant 0 : i32
      %dma_wait3A_53 = arith.constant 0 : i32
      %dma_wait3A_54 = tpu.memref_slice %arg2[%dma_wait3A_52, %dma_wait3A_53] : memref<10240x128xf32, #tpu.memory_space<hbm>> -> memref<80x128xf32, #tpu.memory_space<hbm>>
      tpu.wait_dma2 semaphore(%arg14 : memref<!tpu.dma_semaphore, #tpu.memory_space<semaphore_mem>>) src(%dma_wait3A_54 : memref<80x128xf32, #tpu.memory_space<hbm>>) dst(%arg11 : memref<80x128xf32, #tpu.memory_space<vmem>>)
      %dma_wait3A_55 = arith.constant 0 : i32
      %dma_wait3A_56 = tpu.memref_slice %arg3[%dma_wait3A_55] : memref<320080xi32, #tpu.memory_space<hbm>> -> memref<80xi32, #tpu.memory_space<hbm>>
      %dma_wait3A_57 = arith.constant 0 : i32
      %dma_wait3A_58 = tpu.memref_slice %arg3[%dma_wait3A_57] : memref<320080xi32, #tpu.memory_space<hbm>> -> memref<80xi32, #tpu.memory_space<hbm>>
      tpu.wait_dma2 semaphore(%arg17 : memref<!tpu.dma_semaphore, #tpu.memory_space<semaphore_mem>>) src(%dma_wait3A_58 : memref<80xi32, #tpu.memory_space<hbm>>) dst(%arg7 : memref<80xi32, #tpu.memory_space<vmem>>)
      %dma_wait3A_59 = arith.constant 0 : i32
      %dma_wait3A_60 = tpu.memref_slice %arg3[%dma_wait3A_59] : memref<320080xi32, #tpu.memory_space<hbm>> -> memref<80xi32, #tpu.memory_space<hbm>>
      %dma_wait3A_61 = arith.constant 0 : i32
      %dma_wait3A_62 = tpu.memref_slice %arg3[%dma_wait3A_61] : memref<320080xi32, #tpu.memory_space<hbm>> -> memref<80xi32, #tpu.memory_space<hbm>>
      tpu.wait_dma2 semaphore(%arg17 : memref<!tpu.dma_semaphore, #tpu.memory_space<semaphore_mem>>) src(%dma_wait3A_62 : memref<80xi32, #tpu.memory_space<hbm>>) dst(%arg7 : memref<80xi32, #tpu.memory_space<vmem>>)
      %dma_start3A_63 = arith.constant 0 : i32
      %dma_start3A_64 = arith.constant 0 : i32
      %dma_start3A_65 = tpu.memref_slice %arg2[%dma_start3A_63, %dma_start3A_64] : memref<10240x128xf32, #tpu.memory_space<hbm>> -> memref<10240x128xf32, #tpu.memory_space<hbm>>
      tpu.enqueue_indirect_dma source(%dma_start3A_65 : memref<10240x128xf32, #tpu.memory_space<hbm>>) target(%arg12 : memref<80x128xf32, #tpu.memory_space<vmem>>) offsets(%arg9 : memref<80xi32, #tpu.memory_space<vmem>>) semaphore(%arg15 : memref<!tpu.dma_semaphore, #tpu.memory_space<semaphore_mem>>)
      "tpu.region"() ({
        %run_scoped3A = tpu.sem_alloc : memref<!tpu.dma_semaphore, #tpu.memory_space<semaphore_mem>>
        %dma_start3A_101 = arith.constant 0 : i32
        %dma_start3A_102 = arith.constant 0 : i32
        %dma_start3A_103 = tpu.memref_slice %arg13[%dma_start3A_101, %dma_start3A_102] : memref<10240x128xf32, #tpu.memory_space<vmem_shared>> -> memref<10240x128xf32, #tpu.memory_space<vmem_shared>>
        tpu.enqueue_indirect_dma source(%arg11 : memref<80x128xf32, #tpu.memory_space<vmem>>) target(%dma_start3A_103 : memref<10240x128xf32, #tpu.memory_space<vmem_shared>>) offsets(%arg8 : memref<80xi32, #tpu.memory_space<vmem>>) semaphore(%run_scoped3A : memref<!tpu.dma_semaphore, #tpu.memory_space<semaphore_mem>>) {add = true}
        %dma_wait3A_104 = arith.constant 0 : i32
        %dma_wait3A_105 = arith.constant 0 : i32
        %dma_wait3A_106 = tpu.memref_slice %arg13[%dma_wait3A_104, %dma_wait3A_105] : memref<10240x128xf32, #tpu.memory_space<vmem_shared>> -> memref<10240x128xf32, #tpu.memory_space<vmem_shared>>
        tpu.wait_indirect_dma semaphore(%run_scoped3A : memref<!tpu.dma_semaphore, #tpu.memory_space<semaphore_mem>>) src(%arg11 : memref<80x128xf32, #tpu.memory_space<vmem>>) dst(%dma_wait3A_106 : memref<10240x128xf32, #tpu.memory_space<vmem_shared>>)
        tpu.yield
      }) : () -> ()
      %add3A_66 = arith.constant 2 : i32
      %add3A_67 = arith.addi %mul3A_48, %add3A_66 : i32
      %mul3A_68 = arith.constant 80 : i32
      %mul3A_69 = arith.muli %add3A_67, %mul3A_68 : i32
      %add3A_70 = arith.addi %mul3A_4, %mul3A_69 : i32
      %dma_start3A_71 = tpu.memref_slice %arg3[%add3A_70] : memref<320080xi32, #tpu.memory_space<hbm>> -> memref<80xi32, #tpu.memory_space<hbm>>
      %dma_start3A_72 = tpu.memref_slice %arg3[%add3A_70] : memref<320080xi32, #tpu.memory_space<hbm>> -> memref<80xi32, #tpu.memory_space<hbm>>
      tpu.enqueue_dma source(%dma_start3A_72 : memref<80xi32, #tpu.memory_space<hbm>>) target(%arg7 : memref<80xi32, #tpu.memory_space<vmem>>) target_semaphore(%arg16 : memref<!tpu.dma_semaphore, #tpu.memory_space<semaphore_mem>>)
      %dma_start3A_73 = tpu.memref_slice %arg4[%add3A_70] : memref<320080xi32, #tpu.memory_space<hbm>> -> memref<80xi32, #tpu.memory_space<hbm>>
      %dma_start3A_74 = tpu.memref_slice %arg4[%add3A_70] : memref<320080xi32, #tpu.memory_space<hbm>> -> memref<80xi32, #tpu.memory_space<hbm>>
      tpu.enqueue_dma source(%dma_start3A_74 : memref<80xi32, #tpu.memory_space<hbm>>) target(%arg8 : memref<80xi32, #tpu.memory_space<vmem>>) target_semaphore(%arg16 : memref<!tpu.dma_semaphore, #tpu.memory_space<semaphore_mem>>)
      %dma_wait3A_75 = arith.constant 0 : i32
      %dma_wait3A_76 = arith.constant 0 : i32
      %dma_wait3A_77 = tpu.memref_slice %arg2[%dma_wait3A_75, %dma_wait3A_76] : memref<10240x128xf32, #tpu.memory_space<hbm>> -> memref<80x128xf32, #tpu.memory_space<hbm>>
      %dma_wait3A_78 = arith.constant 0 : i32
      %dma_wait3A_79 = arith.constant 0 : i32
      %dma_wait3A_80 = tpu.memref_slice %arg2[%dma_wait3A_78, %dma_wait3A_79] : memref<10240x128xf32, #tpu.memory_space<hbm>> -> memref<80x128xf32, #tpu.memory_space<hbm>>
      tpu.wait_dma2 semaphore(%arg15 : memref<!tpu.dma_semaphore, #tpu.memory_space<semaphore_mem>>) src(%dma_wait3A_80 : memref<80x128xf32, #tpu.memory_space<hbm>>) dst(%arg12 : memref<80x128xf32, #tpu.memory_space<vmem>>)
      %dma_wait3A_81 = arith.constant 0 : i32
      %dma_wait3A_82 = tpu.memref_slice %arg3[%dma_wait3A_81] : memref<320080xi32, #tpu.memory_space<hbm>> -> memref<80xi32, #tpu.memory_space<hbm>>
      %dma_wait3A_83 = arith.constant 0 : i32
      %dma_wait3A_84 = tpu.memref_slice %arg3[%dma_wait3A_83] : memref<320080xi32, #tpu.memory_space<hbm>> -> memref<80xi32, #tpu.memory_space<hbm>>
      tpu.wait_dma2 semaphore(%arg16 : memref<!tpu.dma_semaphore, #tpu.memory_space<semaphore_mem>>) src(%dma_wait3A_84 : memref<80xi32, #tpu.memory_space<hbm>>) dst(%arg7 : memref<80xi32, #tpu.memory_space<vmem>>)
      %dma_wait3A_85 = arith.constant 0 : i32
      %dma_wait3A_86 = tpu.memref_slice %arg3[%dma_wait3A_85] : memref<320080xi32, #tpu.memory_space<hbm>> -> memref<80xi32, #tpu.memory_space<hbm>>
      %dma_wait3A_87 = arith.constant 0 : i32
      %dma_wait3A_88 = tpu.memref_slice %arg3[%dma_wait3A_87] : memref<320080xi32, #tpu.memory_space<hbm>> -> memref<80xi32, #tpu.memory_space<hbm>>
      tpu.wait_dma2 semaphore(%arg16 : memref<!tpu.dma_semaphore, #tpu.memory_space<semaphore_mem>>) src(%dma_wait3A_88 : memref<80xi32, #tpu.memory_space<hbm>>) dst(%arg7 : memref<80xi32, #tpu.memory_space<vmem>>)
      %dma_start3A_89 = arith.constant 0 : i32
      %dma_start3A_90 = arith.constant 0 : i32
      %dma_start3A_91 = tpu.memref_slice %arg2[%dma_start3A_89, %dma_start3A_90] : memref<10240x128xf32, #tpu.memory_space<hbm>> -> memref<10240x128xf32, #tpu.memory_space<hbm>>
      tpu.enqueue_indirect_dma source(%dma_start3A_91 : memref<10240x128xf32, #tpu.memory_space<hbm>>) target(%arg11 : memref<80x128xf32, #tpu.memory_space<vmem>>) offsets(%arg7 : memref<80xi32, #tpu.memory_space<vmem>>) semaphore(%arg14 : memref<!tpu.dma_semaphore, #tpu.memory_space<semaphore_mem>>)
      "tpu.region"() ({
        %run_scoped3A = tpu.sem_alloc : memref<!tpu.dma_semaphore, #tpu.memory_space<semaphore_mem>>
        %dma_start3A_101 = arith.constant 0 : i32
        %dma_start3A_102 = arith.constant 0 : i32
        %dma_start3A_103 = tpu.memref_slice %arg13[%dma_start3A_101, %dma_start3A_102] : memref<10240x128xf32, #tpu.memory_space<vmem_shared>> -> memref<10240x128xf32, #tpu.memory_space<vmem_shared>>
        tpu.enqueue_indirect_dma source(%arg12 : memref<80x128xf32, #tpu.memory_space<vmem>>) target(%dma_start3A_103 : memref<10240x128xf32, #tpu.memory_space<vmem_shared>>) offsets(%arg10 : memref<80xi32, #tpu.memory_space<vmem>>) semaphore(%run_scoped3A : memref<!tpu.dma_semaphore, #tpu.memory_space<semaphore_mem>>) {add = true}
        %dma_wait3A_104 = arith.constant 0 : i32
        %dma_wait3A_105 = arith.constant 0 : i32
        %dma_wait3A_106 = tpu.memref_slice %arg13[%dma_wait3A_104, %dma_wait3A_105] : memref<10240x128xf32, #tpu.memory_space<vmem_shared>> -> memref<10240x128xf32, #tpu.memory_space<vmem_shared>>
        tpu.wait_indirect_dma semaphore(%run_scoped3A : memref<!tpu.dma_semaphore, #tpu.memory_space<semaphore_mem>>) src(%arg12 : memref<80x128xf32, #tpu.memory_space<vmem>>) dst(%dma_wait3A_106 : memref<10240x128xf32, #tpu.memory_space<vmem_shared>>)
        tpu.yield
      }) : () -> ()
      %add3A_92 = arith.constant 3 : i32
      %add3A_93 = arith.addi %mul3A_48, %add3A_92 : i32
      %mul3A_94 = arith.constant 80 : i32
      %mul3A_95 = arith.muli %add3A_93, %mul3A_94 : i32
      %add3A_96 = arith.addi %mul3A_4, %mul3A_95 : i32
      %dma_start3A_97 = tpu.memref_slice %arg3[%add3A_96] : memref<320080xi32, #tpu.memory_space<hbm>> -> memref<80xi32, #tpu.memory_space<hbm>>
      %dma_start3A_98 = tpu.memref_slice %arg3[%add3A_96] : memref<320080xi32, #tpu.memory_space<hbm>> -> memref<80xi32, #tpu.memory_space<hbm>>
      tpu.enqueue_dma source(%dma_start3A_98 : memref<80xi32, #tpu.memory_space<hbm>>) target(%arg9 : memref<80xi32, #tpu.memory_space<vmem>>) target_semaphore(%arg17 : memref<!tpu.dma_semaphore, #tpu.memory_space<semaphore_mem>>)
      %dma_start3A_99 = tpu.memref_slice %arg4[%add3A_96] : memref<320080xi32, #tpu.memory_space<hbm>> -> memref<80xi32, #tpu.memory_space<hbm>>
      %dma_start3A_100 = tpu.memref_slice %arg4[%add3A_96] : memref<320080xi32, #tpu.memory_space<hbm>> -> memref<80xi32, #tpu.memory_space<hbm>>
      tpu.enqueue_dma source(%dma_start3A_100 : memref<80xi32, #tpu.memory_space<hbm>>) target(%arg10 : memref<80xi32, #tpu.memory_space<vmem>>) target_semaphore(%arg17 : memref<!tpu.dma_semaphore, #tpu.memory_space<semaphore_mem>>)
    }
    %scan3A_30 = arith.constant 62 : i32
    %dma_wait3A_31 = arith.constant 0 : i32
    %dma_wait3A_32 = arith.constant 0 : i32
    %dma_wait3A_33 = tpu.memref_slice %arg2[%dma_wait3A_31, %dma_wait3A_32] : memref<10240x128xf32, #tpu.memory_space<hbm>> -> memref<80x128xf32, #tpu.memory_space<hbm>>
    %dma_wait3A_34 = arith.constant 0 : i32
    %dma_wait3A_35 = arith.constant 0 : i32
    %dma_wait3A_36 = tpu.memref_slice %arg2[%dma_wait3A_34, %dma_wait3A_35] : memref<10240x128xf32, #tpu.memory_space<hbm>> -> memref<80x128xf32, #tpu.memory_space<hbm>>
    tpu.wait_dma2 semaphore(%arg14 : memref<!tpu.dma_semaphore, #tpu.memory_space<semaphore_mem>>) src(%dma_wait3A_36 : memref<80x128xf32, #tpu.memory_space<hbm>>) dst(%arg11 : memref<80x128xf32, #tpu.memory_space<vmem>>)
    "tpu.region"() ({
      %run_scoped3A = tpu.sem_alloc : memref<!tpu.dma_semaphore, #tpu.memory_space<semaphore_mem>>
      %dma_start3A_46 = arith.constant 0 : i32
      %dma_start3A_47 = arith.constant 0 : i32
      %dma_start3A_48 = tpu.memref_slice %arg13[%dma_start3A_46, %dma_start3A_47] : memref<10240x128xf32, #tpu.memory_space<vmem_shared>> -> memref<10240x128xf32, #tpu.memory_space<vmem_shared>>
      tpu.enqueue_indirect_dma source(%arg11 : memref<80x128xf32, #tpu.memory_space<vmem>>) target(%dma_start3A_48 : memref<10240x128xf32, #tpu.memory_space<vmem_shared>>) offsets(%arg8 : memref<80xi32, #tpu.memory_space<vmem>>) semaphore(%run_scoped3A : memref<!tpu.dma_semaphore, #tpu.memory_space<semaphore_mem>>) {add = true}
      %dma_wait3A_49 = arith.constant 0 : i32
      %dma_wait3A_50 = arith.constant 0 : i32
      %dma_wait3A_51 = tpu.memref_slice %arg13[%dma_wait3A_49, %dma_wait3A_50] : memref<10240x128xf32, #tpu.memory_space<vmem_shared>> -> memref<10240x128xf32, #tpu.memory_space<vmem_shared>>
      tpu.wait_indirect_dma semaphore(%run_scoped3A : memref<!tpu.dma_semaphore, #tpu.memory_space<semaphore_mem>>) src(%arg11 : memref<80x128xf32, #tpu.memory_space<vmem>>) dst(%dma_wait3A_51 : memref<10240x128xf32, #tpu.memory_space<vmem_shared>>)
      tpu.yield
    }) : () -> ()
    %dma_wait3A_37 = arith.constant 0 : i32
    %dma_wait3A_38 = tpu.memref_slice %arg3[%dma_wait3A_37] : memref<320080xi32, #tpu.memory_space<hbm>> -> memref<80xi32, #tpu.memory_space<hbm>>
    %dma_wait3A_39 = arith.constant 0 : i32
    %dma_wait3A_40 = tpu.memref_slice %arg3[%dma_wait3A_39] : memref<320080xi32, #tpu.memory_space<hbm>> -> memref<80xi32, #tpu.memory_space<hbm>>
    tpu.wait_dma2 semaphore(%arg17 : memref<!tpu.dma_semaphore, #tpu.memory_space<semaphore_mem>>) src(%dma_wait3A_40 : memref<80xi32, #tpu.memory_space<hbm>>) dst(%arg7 : memref<80xi32, #tpu.memory_space<vmem>>)
    %dma_wait3A_41 = arith.constant 0 : i32
    %dma_wait3A_42 = tpu.memref_slice %arg3[%dma_wait3A_41] : memref<320080xi32, #tpu.memory_space<hbm>> -> memref<80xi32, #tpu.memory_space<hbm>>
    %dma_wait3A_43 = arith.constant 0 : i32
    %dma_wait3A_44 = tpu.memref_slice %arg3[%dma_wait3A_43] : memref<320080xi32, #tpu.memory_space<hbm>> -> memref<80xi32, #tpu.memory_space<hbm>>
    tpu.wait_dma2 semaphore(%arg17 : memref<!tpu.dma_semaphore, #tpu.memory_space<semaphore_mem>>) src(%dma_wait3A_44 : memref<80xi32, #tpu.memory_space<hbm>>) dst(%arg7 : memref<80xi32, #tpu.memory_space<vmem>>)
    %barrier3A_45 = arith.constant 0 : index
    tpu.barrier barrier_id(%barrier3A_45)
    "tpu.region"() ({
      %run_scoped3A = tpu.sem_alloc : memref<!tpu.dma_semaphore, #tpu.memory_space<semaphore_mem>>
      %dma_start3A_46 = arith.constant 0 : i32
      %dma_start3A_47 = tpu.memref_slice %arg6[%arg0, %mul3A_0, %dma_start3A_46] : memref<2x10240x128xf32, #tpu.memory_space<hbm>> -> memref<1x640x128xf32, #tpu.memory_space<hbm>>
      %dma_start3A_48 = tpu.memref_squeeze %dma_start3A_47 : memref<1x640x128xf32, #tpu.memory_space<hbm>> -> memref<640x128xf32, #tpu.memory_space<hbm>>
      %dma_start3A_49 = arith.constant 0 : i32
      %dma_start3A_50 = tpu.memref_slice %arg13[%mul3A_0, %dma_start3A_49] : memref<10240x128xf32, #tpu.memory_space<vmem_shared>> -> memref<640x128xf32, #tpu.memory_space<vmem_shared>>
      tpu.enqueue_dma source(%dma_start3A_50 : memref<640x128xf32, #tpu.memory_space<vmem_shared>>) target(%dma_start3A_48 : memref<640x128xf32, #tpu.memory_space<hbm>>) target_semaphore(%run_scoped3A : memref<!tpu.dma_semaphore, #tpu.memory_space<semaphore_mem>>)
      %dma_wait3A_51 = arith.constant 0 : i32
      %dma_wait3A_52 = tpu.memref_slice %arg6[%arg0, %mul3A_0, %dma_wait3A_51] : memref<2x10240x128xf32, #tpu.memory_space<hbm>> -> memref<1x640x128xf32, #tpu.memory_space<hbm>>
      %dma_wait3A_53 = tpu.memref_squeeze %dma_wait3A_52 : memref<1x640x128xf32, #tpu.memory_space<hbm>> -> memref<640x128xf32, #tpu.memory_space<hbm>>
      %dma_wait3A_54 = arith.constant 0 : i32
      %dma_wait3A_55 = tpu.memref_slice %arg13[%mul3A_0, %dma_wait3A_54] : memref<10240x128xf32, #tpu.memory_space<vmem_shared>> -> memref<640x128xf32, #tpu.memory_space<vmem_shared>>
      tpu.wait_dma2 semaphore(%run_scoped3A : memref<!tpu.dma_semaphore, #tpu.memory_space<semaphore_mem>>) src(%dma_wait3A_55 : memref<640x128xf32, #tpu.memory_space<vmem_shared>>) dst(%dma_wait3A_53 : memref<640x128xf32, #tpu.memory_space<hbm>>)
      tpu.yield
    }) : () -> ()
    return
  }
}

#map = affine_map<(d0, d1) -> (0, 0)>
#map1 = affine_map<(d0, d1) -> (0)>
#map2 = affine_map<(d0, d1) -> (0, 0, 0)>
module attributes {stable_mosaic.version = 14 : i64} {
  func.func @_sc_agg_body(%arg0: i32, %arg1: i32, %arg2: memref<10240x128xf32, #tpu.memory_space<hbm>>, %arg3: memref<320080xi32, #tpu.memory_space<hbm>>, %arg4: memref<320080xi32, #tpu.memory_space<hbm>>, %arg5: memref<640x128xf32, #tpu.memory_space<hbm>>, %arg6: memref<2x10240x128xf32, #tpu.memory_space<hbm>>, %arg7: memref<80xi32, #tpu.memory_space<vmem>>, %arg8: memref<80xi32, #tpu.memory_space<vmem>>, %arg9: memref<80xi32, #tpu.memory_space<vmem>>, %arg10: memref<80xi32, #tpu.memory_space<vmem>>, %arg11: memref<80x128xf32, #tpu.memory_space<vmem>>, %arg12: memref<80x128xf32, #tpu.memory_space<vmem>>, %arg13: memref<10240x128xf32, #tpu.memory_space<vmem_shared>>, %arg14: memref<!tpu.dma_semaphore, #tpu.memory_space<semaphore_mem>>, %arg15: memref<!tpu.dma_semaphore, #tpu.memory_space<semaphore_mem>>, %arg16: memref<!tpu.dma_semaphore, #tpu.memory_space<semaphore_mem>>, %arg17: memref<!tpu.dma_semaphore, #tpu.memory_space<semaphore_mem>>) attributes {dimension_semantics = [#tpu.dimension_semantics<core_parallel>, #tpu.dimension_semantics<subcore_parallel>], iteration_bounds = array<i64: 2, 16>, scalar_prefetch = 0 : i64, scratch_operands = 11 : i64, tpu.core_type = #tpu.core_type<sc_vector_subcore>, window_params = [{transform_indices = #map}, {transform_indices = #map1}, {transform_indices = #map1}, {transform_indices = #map}, {transform_indices = #map2}]} {
    %mul3A = arith.constant 640 : i32
    %mul3A_0 = arith.muli %arg1, %mul3A : i32
    "tpu.region"() ({
      %run_scoped3A = tpu.sem_alloc : memref<!tpu.dma_semaphore, #tpu.memory_space<semaphore_mem>>
      %dma_start3A_46 = arith.constant 0 : i32
      %dma_start3A_47 = tpu.memref_slice %arg13[%mul3A_0, %dma_start3A_46] : memref<10240x128xf32, #tpu.memory_space<vmem_shared>> -> memref<640x128xf32, #tpu.memory_space<vmem_shared>>
      tpu.enqueue_dma source(%arg5 : memref<640x128xf32, #tpu.memory_space<hbm>>) target(%dma_start3A_47 : memref<640x128xf32, #tpu.memory_space<vmem_shared>>) target_semaphore(%run_scoped3A : memref<!tpu.dma_semaphore, #tpu.memory_space<semaphore_mem>>)
      %dma_wait3A_48 = arith.constant 0 : i32
      %dma_wait3A_49 = tpu.memref_slice %arg13[%mul3A_0, %dma_wait3A_48] : memref<10240x128xf32, #tpu.memory_space<vmem_shared>> -> memref<640x128xf32, #tpu.memory_space<vmem_shared>>
      tpu.wait_dma2 semaphore(%run_scoped3A : memref<!tpu.dma_semaphore, #tpu.memory_space<semaphore_mem>>) src(%arg5 : memref<640x128xf32, #tpu.memory_space<hbm>>) dst(%dma_wait3A_49 : memref<640x128xf32, #tpu.memory_space<vmem_shared>>)
      tpu.yield
    }) : () -> ()
    %barrier3A = arith.constant 0 : index
    tpu.barrier barrier_id(%barrier3A)
    %mul3A_1 = arith.constant 16 : i32
    %mul3A_2 = arith.muli %arg0, %mul3A_1 : i32
    %add3A = arith.addi %mul3A_2, %arg1 : i32
    %mul3A_3 = arith.constant 10000 : i32
    %mul3A_4 = arith.muli %add3A, %mul3A_3 : i32
    %dma_start3A = tpu.memref_slice %arg3[%mul3A_4] : memref<320080xi32, #tpu.memory_space<hbm>> -> memref<80xi32, #tpu.memory_space<hbm>>
    %dma_start3A_5 = tpu.memref_slice %arg3[%mul3A_4] : memref<320080xi32, #tpu.memory_space<hbm>> -> memref<80xi32, #tpu.memory_space<hbm>>
    tpu.enqueue_dma source(%dma_start3A_5 : memref<80xi32, #tpu.memory_space<hbm>>) target(%arg7 : memref<80xi32, #tpu.memory_space<vmem>>) target_semaphore(%arg16 : memref<!tpu.dma_semaphore, #tpu.memory_space<semaphore_mem>>)
    %dma_start3A_6 = tpu.memref_slice %arg4[%mul3A_4] : memref<320080xi32, #tpu.memory_space<hbm>> -> memref<80xi32, #tpu.memory_space<hbm>>
    %dma_start3A_7 = tpu.memref_slice %arg4[%mul3A_4] : memref<320080xi32, #tpu.memory_space<hbm>> -> memref<80xi32, #tpu.memory_space<hbm>>
    tpu.enqueue_dma source(%dma_start3A_7 : memref<80xi32, #tpu.memory_space<hbm>>) target(%arg8 : memref<80xi32, #tpu.memory_space<vmem>>) target_semaphore(%arg16 : memref<!tpu.dma_semaphore, #tpu.memory_space<semaphore_mem>>)
    %add3A_8 = arith.constant 80 : i32
    %add3A_9 = arith.addi %mul3A_4, %add3A_8 : i32
    %dma_start3A_10 = tpu.memref_slice %arg3[%add3A_9] : memref<320080xi32, #tpu.memory_space<hbm>> -> memref<80xi32, #tpu.memory_space<hbm>>
    %dma_start3A_11 = tpu.memref_slice %arg3[%add3A_9] : memref<320080xi32, #tpu.memory_space<hbm>> -> memref<80xi32, #tpu.memory_space<hbm>>
    tpu.enqueue_dma source(%dma_start3A_11 : memref<80xi32, #tpu.memory_space<hbm>>) target(%arg9 : memref<80xi32, #tpu.memory_space<vmem>>) target_semaphore(%arg17 : memref<!tpu.dma_semaphore, #tpu.memory_space<semaphore_mem>>)
    %add3A_12 = arith.constant 80 : i32
    %add3A_13 = arith.addi %mul3A_4, %add3A_12 : i32
    %dma_start3A_14 = tpu.memref_slice %arg4[%add3A_13] : memref<320080xi32, #tpu.memory_space<hbm>> -> memref<80xi32, #tpu.memory_space<hbm>>
    %dma_start3A_15 = tpu.memref_slice %arg4[%add3A_13] : memref<320080xi32, #tpu.memory_space<hbm>> -> memref<80xi32, #tpu.memory_space<hbm>>
    tpu.enqueue_dma source(%dma_start3A_15 : memref<80xi32, #tpu.memory_space<hbm>>) target(%arg10 : memref<80xi32, #tpu.memory_space<vmem>>) target_semaphore(%arg17 : memref<!tpu.dma_semaphore, #tpu.memory_space<semaphore_mem>>)
    %dma_wait3A = arith.constant 0 : i32
    %dma_wait3A_16 = tpu.memref_slice %arg3[%dma_wait3A] : memref<320080xi32, #tpu.memory_space<hbm>> -> memref<80xi32, #tpu.memory_space<hbm>>
    %dma_wait3A_17 = arith.constant 0 : i32
    %dma_wait3A_18 = tpu.memref_slice %arg3[%dma_wait3A_17] : memref<320080xi32, #tpu.memory_space<hbm>> -> memref<80xi32, #tpu.memory_space<hbm>>
    tpu.wait_dma2 semaphore(%arg16 : memref<!tpu.dma_semaphore, #tpu.memory_space<semaphore_mem>>) src(%dma_wait3A_18 : memref<80xi32, #tpu.memory_space<hbm>>) dst(%arg7 : memref<80xi32, #tpu.memory_space<vmem>>)
    %dma_wait3A_19 = arith.constant 0 : i32
    %dma_wait3A_20 = tpu.memref_slice %arg3[%dma_wait3A_19] : memref<320080xi32, #tpu.memory_space<hbm>> -> memref<80xi32, #tpu.memory_space<hbm>>
    %dma_wait3A_21 = arith.constant 0 : i32
    %dma_wait3A_22 = tpu.memref_slice %arg3[%dma_wait3A_21] : memref<320080xi32, #tpu.memory_space<hbm>> -> memref<80xi32, #tpu.memory_space<hbm>>
    tpu.wait_dma2 semaphore(%arg16 : memref<!tpu.dma_semaphore, #tpu.memory_space<semaphore_mem>>) src(%dma_wait3A_22 : memref<80xi32, #tpu.memory_space<hbm>>) dst(%arg7 : memref<80xi32, #tpu.memory_space<vmem>>)
    %dma_start3A_23 = arith.constant 0 : i32
    %dma_start3A_24 = arith.constant 0 : i32
    %dma_start3A_25 = tpu.memref_slice %arg2[%dma_start3A_23, %dma_start3A_24] : memref<10240x128xf32, #tpu.memory_space<hbm>> -> memref<10240x128xf32, #tpu.memory_space<hbm>>
    tpu.enqueue_indirect_dma source(%dma_start3A_25 : memref<10240x128xf32, #tpu.memory_space<hbm>>) target(%arg11 : memref<80x128xf32, #tpu.memory_space<vmem>>) offsets(%arg7 : memref<80xi32, #tpu.memory_space<vmem>>) semaphore(%arg14 : memref<!tpu.dma_semaphore, #tpu.memory_space<semaphore_mem>>)
    %scan3A = arith.constant 0 : i32
    %scan3A_26 = arith.constant 0 : i32
    %scan3A_27 = arith.constant 62 : i32
    %scan3A_28 = arith.addi %scan3A_26, %scan3A_27 : i32
    %scan3A_29 = arith.constant 1 : i32
    scf.for %scan3A_46 = %scan3A_26 to %scan3A_28 step %scan3A_29  : i32 {
      %mul3A_47 = arith.constant 2 : i32
      %mul3A_48 = arith.muli %mul3A_47, %scan3A_46 : i32
      %dma_wait3A_49 = arith.constant 0 : i32
      %dma_wait3A_50 = arith.constant 0 : i32
      %dma_wait3A_51 = tpu.memref_slice %arg2[%dma_wait3A_49, %dma_wait3A_50] : memref<10240x128xf32, #tpu.memory_space<hbm>> -> memref<80x128xf32, #tpu.memory_space<hbm>>
      %dma_wait3A_52 = arith.constant 0 : i32
      %dma_wait3A_53 = arith.constant 0 : i32
      %dma_wait3A_54 = tpu.memref_slice %arg2[%dma_wait3A_52, %dma_wait3A_53] : memref<10240x128xf32, #tpu.memory_space<hbm>> -> memref<80x128xf32, #tpu.memory_space<hbm>>
      tpu.wait_dma2 semaphore(%arg14 : memref<!tpu.dma_semaphore, #tpu.memory_space<semaphore_mem>>) src(%dma_wait3A_54 : memref<80x128xf32, #tpu.memory_space<hbm>>) dst(%arg11 : memref<80x128xf32, #tpu.memory_space<vmem>>)
      %dma_wait3A_55 = arith.constant 0 : i32
      %dma_wait3A_56 = tpu.memref_slice %arg3[%dma_wait3A_55] : memref<320080xi32, #tpu.memory_space<hbm>> -> memref<80xi32, #tpu.memory_space<hbm>>
      %dma_wait3A_57 = arith.constant 0 : i32
      %dma_wait3A_58 = tpu.memref_slice %arg3[%dma_wait3A_57] : memref<320080xi32, #tpu.memory_space<hbm>> -> memref<80xi32, #tpu.memory_space<hbm>>
      tpu.wait_dma2 semaphore(%arg17 : memref<!tpu.dma_semaphore, #tpu.memory_space<semaphore_mem>>) src(%dma_wait3A_58 : memref<80xi32, #tpu.memory_space<hbm>>) dst(%arg7 : memref<80xi32, #tpu.memory_space<vmem>>)
      %dma_wait3A_59 = arith.constant 0 : i32
      %dma_wait3A_60 = tpu.memref_slice %arg3[%dma_wait3A_59] : memref<320080xi32, #tpu.memory_space<hbm>> -> memref<80xi32, #tpu.memory_space<hbm>>
      %dma_wait3A_61 = arith.constant 0 : i32
      %dma_wait3A_62 = tpu.memref_slice %arg3[%dma_wait3A_61] : memref<320080xi32, #tpu.memory_space<hbm>> -> memref<80xi32, #tpu.memory_space<hbm>>
      tpu.wait_dma2 semaphore(%arg17 : memref<!tpu.dma_semaphore, #tpu.memory_space<semaphore_mem>>) src(%dma_wait3A_62 : memref<80xi32, #tpu.memory_space<hbm>>) dst(%arg7 : memref<80xi32, #tpu.memory_space<vmem>>)
      %dma_start3A_63 = arith.constant 0 : i32
      %dma_start3A_64 = arith.constant 0 : i32
      %dma_start3A_65 = tpu.memref_slice %arg2[%dma_start3A_63, %dma_start3A_64] : memref<10240x128xf32, #tpu.memory_space<hbm>> -> memref<10240x128xf32, #tpu.memory_space<hbm>>
      tpu.enqueue_indirect_dma source(%dma_start3A_65 : memref<10240x128xf32, #tpu.memory_space<hbm>>) target(%arg12 : memref<80x128xf32, #tpu.memory_space<vmem>>) offsets(%arg9 : memref<80xi32, #tpu.memory_space<vmem>>) semaphore(%arg15 : memref<!tpu.dma_semaphore, #tpu.memory_space<semaphore_mem>>)
      "tpu.region"() ({
        %run_scoped3A = tpu.sem_alloc : memref<!tpu.dma_semaphore, #tpu.memory_space<semaphore_mem>>
        %dma_start3A_101 = arith.constant 0 : i32
        %dma_start3A_102 = arith.constant 0 : i32
        %dma_start3A_103 = tpu.memref_slice %arg13[%dma_start3A_101, %dma_start3A_102] : memref<10240x128xf32, #tpu.memory_space<vmem_shared>> -> memref<10240x128xf32, #tpu.memory_space<vmem_shared>>
        tpu.enqueue_indirect_dma source(%arg11 : memref<80x128xf32, #tpu.memory_space<vmem>>) target(%dma_start3A_103 : memref<10240x128xf32, #tpu.memory_space<vmem_shared>>) offsets(%arg8 : memref<80xi32, #tpu.memory_space<vmem>>) semaphore(%run_scoped3A : memref<!tpu.dma_semaphore, #tpu.memory_space<semaphore_mem>>) {add = true}
        %dma_wait3A_104 = arith.constant 0 : i32
        %dma_wait3A_105 = arith.constant 0 : i32
        %dma_wait3A_106 = tpu.memref_slice %arg13[%dma_wait3A_104, %dma_wait3A_105] : memref<10240x128xf32, #tpu.memory_space<vmem_shared>> -> memref<10240x128xf32, #tpu.memory_space<vmem_shared>>
        tpu.wait_indirect_dma semaphore(%run_scoped3A : memref<!tpu.dma_semaphore, #tpu.memory_space<semaphore_mem>>) src(%arg11 : memref<80x128xf32, #tpu.memory_space<vmem>>) dst(%dma_wait3A_106 : memref<10240x128xf32, #tpu.memory_space<vmem_shared>>)
        tpu.yield
      }) : () -> ()
      %add3A_66 = arith.constant 2 : i32
      %add3A_67 = arith.addi %mul3A_48, %add3A_66 : i32
      %mul3A_68 = arith.constant 80 : i32
      %mul3A_69 = arith.muli %add3A_67, %mul3A_68 : i32
      %add3A_70 = arith.addi %mul3A_4, %mul3A_69 : i32
      %dma_start3A_71 = tpu.memref_slice %arg3[%add3A_70] : memref<320080xi32, #tpu.memory_space<hbm>> -> memref<80xi32, #tpu.memory_space<hbm>>
      %dma_start3A_72 = tpu.memref_slice %arg3[%add3A_70] : memref<320080xi32, #tpu.memory_space<hbm>> -> memref<80xi32, #tpu.memory_space<hbm>>
      tpu.enqueue_dma source(%dma_start3A_72 : memref<80xi32, #tpu.memory_space<hbm>>) target(%arg7 : memref<80xi32, #tpu.memory_space<vmem>>) target_semaphore(%arg16 : memref<!tpu.dma_semaphore, #tpu.memory_space<semaphore_mem>>)
      %dma_start3A_73 = tpu.memref_slice %arg4[%add3A_70] : memref<320080xi32, #tpu.memory_space<hbm>> -> memref<80xi32, #tpu.memory_space<hbm>>
      %dma_start3A_74 = tpu.memref_slice %arg4[%add3A_70] : memref<320080xi32, #tpu.memory_space<hbm>> -> memref<80xi32, #tpu.memory_space<hbm>>
      tpu.enqueue_dma source(%dma_start3A_74 : memref<80xi32, #tpu.memory_space<hbm>>) target(%arg8 : memref<80xi32, #tpu.memory_space<vmem>>) target_semaphore(%arg16 : memref<!tpu.dma_semaphore, #tpu.memory_space<semaphore_mem>>)
      %dma_wait3A_75 = arith.constant 0 : i32
      %dma_wait3A_76 = arith.constant 0 : i32
      %dma_wait3A_77 = tpu.memref_slice %arg2[%dma_wait3A_75, %dma_wait3A_76] : memref<10240x128xf32, #tpu.memory_space<hbm>> -> memref<80x128xf32, #tpu.memory_space<hbm>>
      %dma_wait3A_78 = arith.constant 0 : i32
      %dma_wait3A_79 = arith.constant 0 : i32
      %dma_wait3A_80 = tpu.memref_slice %arg2[%dma_wait3A_78, %dma_wait3A_79] : memref<10240x128xf32, #tpu.memory_space<hbm>> -> memref<80x128xf32, #tpu.memory_space<hbm>>
      tpu.wait_dma2 semaphore(%arg15 : memref<!tpu.dma_semaphore, #tpu.memory_space<semaphore_mem>>) src(%dma_wait3A_80 : memref<80x128xf32, #tpu.memory_space<hbm>>) dst(%arg12 : memref<80x128xf32, #tpu.memory_space<vmem>>)
      %dma_wait3A_81 = arith.constant 0 : i32
      %dma_wait3A_82 = tpu.memref_slice %arg3[%dma_wait3A_81] : memref<320080xi32, #tpu.memory_space<hbm>> -> memref<80xi32, #tpu.memory_space<hbm>>
      %dma_wait3A_83 = arith.constant 0 : i32
      %dma_wait3A_84 = tpu.memref_slice %arg3[%dma_wait3A_83] : memref<320080xi32, #tpu.memory_space<hbm>> -> memref<80xi32, #tpu.memory_space<hbm>>
      tpu.wait_dma2 semaphore(%arg16 : memref<!tpu.dma_semaphore, #tpu.memory_space<semaphore_mem>>) src(%dma_wait3A_84 : memref<80xi32, #tpu.memory_space<hbm>>) dst(%arg7 : memref<80xi32, #tpu.memory_space<vmem>>)
      %dma_wait3A_85 = arith.constant 0 : i32
      %dma_wait3A_86 = tpu.memref_slice %arg3[%dma_wait3A_85] : memref<320080xi32, #tpu.memory_space<hbm>> -> memref<80xi32, #tpu.memory_space<hbm>>
      %dma_wait3A_87 = arith.constant 0 : i32
      %dma_wait3A_88 = tpu.memref_slice %arg3[%dma_wait3A_87] : memref<320080xi32, #tpu.memory_space<hbm>> -> memref<80xi32, #tpu.memory_space<hbm>>
      tpu.wait_dma2 semaphore(%arg16 : memref<!tpu.dma_semaphore, #tpu.memory_space<semaphore_mem>>) src(%dma_wait3A_88 : memref<80xi32, #tpu.memory_space<hbm>>) dst(%arg7 : memref<80xi32, #tpu.memory_space<vmem>>)
      %dma_start3A_89 = arith.constant 0 : i32
      %dma_start3A_90 = arith.constant 0 : i32
      %dma_start3A_91 = tpu.memref_slice %arg2[%dma_start3A_89, %dma_start3A_90] : memref<10240x128xf32, #tpu.memory_space<hbm>> -> memref<10240x128xf32, #tpu.memory_space<hbm>>
      tpu.enqueue_indirect_dma source(%dma_start3A_91 : memref<10240x128xf32, #tpu.memory_space<hbm>>) target(%arg11 : memref<80x128xf32, #tpu.memory_space<vmem>>) offsets(%arg7 : memref<80xi32, #tpu.memory_space<vmem>>) semaphore(%arg14 : memref<!tpu.dma_semaphore, #tpu.memory_space<semaphore_mem>>)
      "tpu.region"() ({
        %run_scoped3A = tpu.sem_alloc : memref<!tpu.dma_semaphore, #tpu.memory_space<semaphore_mem>>
        %dma_start3A_101 = arith.constant 0 : i32
        %dma_start3A_102 = arith.constant 0 : i32
        %dma_start3A_103 = tpu.memref_slice %arg13[%dma_start3A_101, %dma_start3A_102] : memref<10240x128xf32, #tpu.memory_space<vmem_shared>> -> memref<10240x128xf32, #tpu.memory_space<vmem_shared>>
        tpu.enqueue_indirect_dma source(%arg12 : memref<80x128xf32, #tpu.memory_space<vmem>>) target(%dma_start3A_103 : memref<10240x128xf32, #tpu.memory_space<vmem_shared>>) offsets(%arg10 : memref<80xi32, #tpu.memory_space<vmem>>) semaphore(%run_scoped3A : memref<!tpu.dma_semaphore, #tpu.memory_space<semaphore_mem>>) {add = true}
        %dma_wait3A_104 = arith.constant 0 : i32
        %dma_wait3A_105 = arith.constant 0 : i32
        %dma_wait3A_106 = tpu.memref_slice %arg13[%dma_wait3A_104, %dma_wait3A_105] : memref<10240x128xf32, #tpu.memory_space<vmem_shared>> -> memref<10240x128xf32, #tpu.memory_space<vmem_shared>>
        tpu.wait_indirect_dma semaphore(%run_scoped3A : memref<!tpu.dma_semaphore, #tpu.memory_space<semaphore_mem>>) src(%arg12 : memref<80x128xf32, #tpu.memory_space<vmem>>) dst(%dma_wait3A_106 : memref<10240x128xf32, #tpu.memory_space<vmem_shared>>)
        tpu.yield
      }) : () -> ()
      %add3A_92 = arith.constant 3 : i32
      %add3A_93 = arith.addi %mul3A_48, %add3A_92 : i32
      %mul3A_94 = arith.constant 80 : i32
      %mul3A_95 = arith.muli %add3A_93, %mul3A_94 : i32
      %add3A_96 = arith.addi %mul3A_4, %mul3A_95 : i32
      %dma_start3A_97 = tpu.memref_slice %arg3[%add3A_96] : memref<320080xi32, #tpu.memory_space<hbm>> -> memref<80xi32, #tpu.memory_space<hbm>>
      %dma_start3A_98 = tpu.memref_slice %arg3[%add3A_96] : memref<320080xi32, #tpu.memory_space<hbm>> -> memref<80xi32, #tpu.memory_space<hbm>>
      tpu.enqueue_dma source(%dma_start3A_98 : memref<80xi32, #tpu.memory_space<hbm>>) target(%arg9 : memref<80xi32, #tpu.memory_space<vmem>>) target_semaphore(%arg17 : memref<!tpu.dma_semaphore, #tpu.memory_space<semaphore_mem>>)
      %dma_start3A_99 = tpu.memref_slice %arg4[%add3A_96] : memref<320080xi32, #tpu.memory_space<hbm>> -> memref<80xi32, #tpu.memory_space<hbm>>
      %dma_start3A_100 = tpu.memref_slice %arg4[%add3A_96] : memref<320080xi32, #tpu.memory_space<hbm>> -> memref<80xi32, #tpu.memory_space<hbm>>
      tpu.enqueue_dma source(%dma_start3A_100 : memref<80xi32, #tpu.memory_space<hbm>>) target(%arg10 : memref<80xi32, #tpu.memory_space<vmem>>) target_semaphore(%arg17 : memref<!tpu.dma_semaphore, #tpu.memory_space<semaphore_mem>>)
    }
    %scan3A_30 = arith.constant 62 : i32
    %dma_wait3A_31 = arith.constant 0 : i32
    %dma_wait3A_32 = arith.constant 0 : i32
    %dma_wait3A_33 = tpu.memref_slice %arg2[%dma_wait3A_31, %dma_wait3A_32] : memref<10240x128xf32, #tpu.memory_space<hbm>> -> memref<80x128xf32, #tpu.memory_space<hbm>>
    %dma_wait3A_34 = arith.constant 0 : i32
    %dma_wait3A_35 = arith.constant 0 : i32
    %dma_wait3A_36 = tpu.memref_slice %arg2[%dma_wait3A_34, %dma_wait3A_35] : memref<10240x128xf32, #tpu.memory_space<hbm>> -> memref<80x128xf32, #tpu.memory_space<hbm>>
    tpu.wait_dma2 semaphore(%arg14 : memref<!tpu.dma_semaphore, #tpu.memory_space<semaphore_mem>>) src(%dma_wait3A_36 : memref<80x128xf32, #tpu.memory_space<hbm>>) dst(%arg11 : memref<80x128xf32, #tpu.memory_space<vmem>>)
    "tpu.region"() ({
      %run_scoped3A = tpu.sem_alloc : memref<!tpu.dma_semaphore, #tpu.memory_space<semaphore_mem>>
      %dma_start3A_46 = arith.constant 0 : i32
      %dma_start3A_47 = arith.constant 0 : i32
      %dma_start3A_48 = tpu.memref_slice %arg13[%dma_start3A_46, %dma_start3A_47] : memref<10240x128xf32, #tpu.memory_space<vmem_shared>> -> memref<10240x128xf32, #tpu.memory_space<vmem_shared>>
      tpu.enqueue_indirect_dma source(%arg11 : memref<80x128xf32, #tpu.memory_space<vmem>>) target(%dma_start3A_48 : memref<10240x128xf32, #tpu.memory_space<vmem_shared>>) offsets(%arg8 : memref<80xi32, #tpu.memory_space<vmem>>) semaphore(%run_scoped3A : memref<!tpu.dma_semaphore, #tpu.memory_space<semaphore_mem>>) {add = true}
      %dma_wait3A_49 = arith.constant 0 : i32
      %dma_wait3A_50 = arith.constant 0 : i32
      %dma_wait3A_51 = tpu.memref_slice %arg13[%dma_wait3A_49, %dma_wait3A_50] : memref<10240x128xf32, #tpu.memory_space<vmem_shared>> -> memref<10240x128xf32, #tpu.memory_space<vmem_shared>>
      tpu.wait_indirect_dma semaphore(%run_scoped3A : memref<!tpu.dma_semaphore, #tpu.memory_space<semaphore_mem>>) src(%arg11 : memref<80x128xf32, #tpu.memory_space<vmem>>) dst(%dma_wait3A_51 : memref<10240x128xf32, #tpu.memory_space<vmem_shared>>)
      tpu.yield
    }) : () -> ()
    %dma_wait3A_37 = arith.constant 0 : i32
    %dma_wait3A_38 = tpu.memref_slice %arg3[%dma_wait3A_37] : memref<320080xi32, #tpu.memory_space<hbm>> -> memref<80xi32, #tpu.memory_space<hbm>>
    %dma_wait3A_39 = arith.constant 0 : i32
    %dma_wait3A_40 = tpu.memref_slice %arg3[%dma_wait3A_39] : memref<320080xi32, #tpu.memory_space<hbm>> -> memref<80xi32, #tpu.memory_space<hbm>>
    tpu.wait_dma2 semaphore(%arg17 : memref<!tpu.dma_semaphore, #tpu.memory_space<semaphore_mem>>) src(%dma_wait3A_40 : memref<80xi32, #tpu.memory_space<hbm>>) dst(%arg7 : memref<80xi32, #tpu.memory_space<vmem>>)
    %dma_wait3A_41 = arith.constant 0 : i32
    %dma_wait3A_42 = tpu.memref_slice %arg3[%dma_wait3A_41] : memref<320080xi32, #tpu.memory_space<hbm>> -> memref<80xi32, #tpu.memory_space<hbm>>
    %dma_wait3A_43 = arith.constant 0 : i32
    %dma_wait3A_44 = tpu.memref_slice %arg3[%dma_wait3A_43] : memref<320080xi32, #tpu.memory_space<hbm>> -> memref<80xi32, #tpu.memory_space<hbm>>
    tpu.wait_dma2 semaphore(%arg17 : memref<!tpu.dma_semaphore, #tpu.memory_space<semaphore_mem>>) src(%dma_wait3A_44 : memref<80xi32, #tpu.memory_space<hbm>>) dst(%arg7 : memref<80xi32, #tpu.memory_space<vmem>>)
    %barrier3A_45 = arith.constant 0 : index
    tpu.barrier barrier_id(%barrier3A_45)
    "tpu.region"() ({
      %run_scoped3A = tpu.sem_alloc : memref<!tpu.dma_semaphore, #tpu.memory_space<semaphore_mem>>
      %dma_start3A_46 = arith.constant 0 : i32
      %dma_start3A_47 = tpu.memref_slice %arg6[%arg0, %mul3A_0, %dma_start3A_46] : memref<2x10240x128xf32, #tpu.memory_space<hbm>> -> memref<1x640x128xf32, #tpu.memory_space<hbm>>
      %dma_start3A_48 = tpu.memref_squeeze %dma_start3A_47 : memref<1x640x128xf32, #tpu.memory_space<hbm>> -> memref<640x128xf32, #tpu.memory_space<hbm>>
      %dma_start3A_49 = arith.constant 0 : i32
      %dma_start3A_50 = tpu.memref_slice %arg13[%mul3A_0, %dma_start3A_49] : memref<10240x128xf32, #tpu.memory_space<vmem_shared>> -> memref<640x128xf32, #tpu.memory_space<vmem_shared>>
      tpu.enqueue_dma source(%dma_start3A_50 : memref<640x128xf32, #tpu.memory_space<vmem_shared>>) target(%dma_start3A_48 : memref<640x128xf32, #tpu.memory_space<hbm>>) target_semaphore(%run_scoped3A : memref<!tpu.dma_semaphore, #tpu.memory_space<semaphore_mem>>)
      %dma_wait3A_51 = arith.constant 0 : i32
      %dma_wait3A_52 = tpu.memref_slice %arg6[%arg0, %mul3A_0, %dma_wait3A_51] : memref<2x10240x128xf32, #tpu.memory_space<hbm>> -> memref<1x640x128xf32, #tpu.memory_space<hbm>>
      %dma_wait3A_53 = tpu.memref_squeeze %dma_wait3A_52 : memref<1x640x128xf32, #tpu.memory_space<hbm>> -> memref<640x128xf32, #tpu.memory_space<hbm>>
      %dma_wait3A_54 = arith.constant 0 : i32
      %dma_wait3A_55 = tpu.memref_slice %arg13[%mul3A_0, %dma_wait3A_54] : memref<10240x128xf32, #tpu.memory_space<vmem_shared>> -> memref<640x128xf32, #tpu.memory_space<vmem_shared>>
      tpu.wait_dma2 semaphore(%run_scoped3A : memref<!tpu.dma_semaphore, #tpu.memory_space<semaphore_mem>>) src(%dma_wait3A_55 : memref<640x128xf32, #tpu.memory_space<vmem_shared>>) dst(%dma_wait3A_53 : memref<640x128xf32, #tpu.memory_space<hbm>>)
      tpu.yield
    }) : () -> ()
    return
  }
}

#map = affine_map<(d0, d1) -> (0, 0, 0)>
#map1 = affine_map<(d0, d1) -> (0, 0)>
module attributes {stable_mosaic.version = 14 : i64} {
  func.func @_sc_cnt_body(%arg0: i32, %arg1: i32, %arg2: memref<32x80x128xi32, #tpu.memory_space<hbm>>, %arg3: memref<640x128xf32, #tpu.memory_space<hbm>>, %arg4: memref<128x128xf32, #tpu.memory_space<hbm>>, %arg5: memref<2x10240x128xf32, #tpu.memory_space<hbm>>, %arg6: memref<80x128xi32, #tpu.memory_space<vmem>>, %arg7: memref<128x128xf32, #tpu.memory_space<vmem>>, %arg8: memref<10240x128xf32, #tpu.memory_space<vmem_shared>>, %arg9: memref<!tpu.dma_semaphore, #tpu.memory_space<semaphore_mem>>) attributes {dimension_semantics = [#tpu.dimension_semantics<core_parallel>, #tpu.dimension_semantics<subcore_parallel>], iteration_bounds = array<i64: 2, 16>, scalar_prefetch = 0 : i64, scratch_operands = 4 : i64, tpu.core_type = #tpu.core_type<sc_vector_subcore>, window_params = [{transform_indices = #map}, {transform_indices = #map1}, {transform_indices = #map1}, {transform_indices = #map}]} {
    %mul3A = arith.constant 16 : i32
    %mul3A_0 = arith.muli %arg0, %mul3A : i32
    %add3A = arith.addi %mul3A_0, %arg1 : i32
    %mul3A_1 = arith.constant 640 : i32
    %mul3A_2 = arith.muli %arg1, %mul3A_1 : i32
    "tpu.region"() ({
      %run_scoped3A = tpu.sem_alloc : memref<!tpu.dma_semaphore, #tpu.memory_space<semaphore_mem>>
      %dma_start3A = arith.constant 0 : i32
      %dma_start3A_9 = tpu.memref_slice %arg8[%mul3A_2, %dma_start3A] : memref<10240x128xf32, #tpu.memory_space<vmem_shared>> -> memref<640x128xf32, #tpu.memory_space<vmem_shared>>
      tpu.enqueue_dma source(%arg3 : memref<640x128xf32, #tpu.memory_space<hbm>>) target(%dma_start3A_9 : memref<640x128xf32, #tpu.memory_space<vmem_shared>>) target_semaphore(%run_scoped3A : memref<!tpu.dma_semaphore, #tpu.memory_space<semaphore_mem>>)
      %dma_wait3A = arith.constant 0 : i32
      %dma_wait3A_10 = tpu.memref_slice %arg8[%mul3A_2, %dma_wait3A] : memref<10240x128xf32, #tpu.memory_space<vmem_shared>> -> memref<640x128xf32, #tpu.memory_space<vmem_shared>>
      tpu.wait_dma2 semaphore(%run_scoped3A : memref<!tpu.dma_semaphore, #tpu.memory_space<semaphore_mem>>) src(%arg3 : memref<640x128xf32, #tpu.memory_space<hbm>>) dst(%dma_wait3A_10 : memref<640x128xf32, #tpu.memory_space<vmem_shared>>)
      tpu.yield
    }) : () -> ()
    "tpu.region"() ({
      %run_scoped3A = tpu.sem_alloc : memref<!tpu.dma_semaphore, #tpu.memory_space<semaphore_mem>>
      tpu.enqueue_dma source(%arg4 : memref<128x128xf32, #tpu.memory_space<hbm>>) target(%arg7 : memref<128x128xf32, #tpu.memory_space<vmem>>) target_semaphore(%run_scoped3A : memref<!tpu.dma_semaphore, #tpu.memory_space<semaphore_mem>>)
      tpu.wait_dma2 semaphore(%run_scoped3A : memref<!tpu.dma_semaphore, #tpu.memory_space<semaphore_mem>>) src(%arg4 : memref<128x128xf32, #tpu.memory_space<hbm>>) dst(%arg7 : memref<128x128xf32, #tpu.memory_space<vmem>>)
      tpu.yield
    }) : () -> ()
    "tpu.region"() ({
      %run_scoped3A = tpu.sem_alloc : memref<!tpu.dma_semaphore, #tpu.memory_space<semaphore_mem>>
      %dma_start3A = arith.constant 0 : i32
      %dma_start3A_9 = arith.constant 0 : i32
      %dma_start3A_10 = tpu.memref_slice %arg2[%add3A, %dma_start3A, %dma_start3A_9] : memref<32x80x128xi32, #tpu.memory_space<hbm>> -> memref<1x80x128xi32, #tpu.memory_space<hbm>>
      %dma_start3A_11 = tpu.memref_squeeze %dma_start3A_10 : memref<1x80x128xi32, #tpu.memory_space<hbm>> -> memref<80x128xi32, #tpu.memory_space<hbm>>
      %dma_start3A_12 = arith.constant 0 : i32
      %dma_start3A_13 = arith.constant 0 : i32
      %dma_start3A_14 = tpu.memref_slice %arg2[%add3A, %dma_start3A_12, %dma_start3A_13] : memref<32x80x128xi32, #tpu.memory_space<hbm>> -> memref<1x80x128xi32, #tpu.memory_space<hbm>>
      %dma_start3A_15 = tpu.memref_squeeze %dma_start3A_14 : memref<1x80x128xi32, #tpu.memory_space<hbm>> -> memref<80x128xi32, #tpu.memory_space<hbm>>
      tpu.enqueue_dma source(%dma_start3A_15 : memref<80x128xi32, #tpu.memory_space<hbm>>) target(%arg6 : memref<80x128xi32, #tpu.memory_space<vmem>>) target_semaphore(%run_scoped3A : memref<!tpu.dma_semaphore, #tpu.memory_space<semaphore_mem>>)
      %dma_wait3A = arith.constant 0 : i32
      %dma_wait3A_16 = arith.constant 0 : i32
      %dma_wait3A_17 = tpu.memref_slice %arg2[%add3A, %dma_wait3A, %dma_wait3A_16] : memref<32x80x128xi32, #tpu.memory_space<hbm>> -> memref<1x80x128xi32, #tpu.memory_space<hbm>>
      %dma_wait3A_18 = tpu.memref_squeeze %dma_wait3A_17 : memref<1x80x128xi32, #tpu.memory_space<hbm>> -> memref<80x128xi32, #tpu.memory_space<hbm>>
      %dma_wait3A_19 = arith.constant 0 : i32
      %dma_wait3A_20 = arith.constant 0 : i32
      %dma_wait3A_21 = tpu.memref_slice %arg2[%add3A, %dma_wait3A_19, %dma_wait3A_20] : memref<32x80x128xi32, #tpu.memory_space<hbm>> -> memref<1x80x128xi32, #tpu.memory_space<hbm>>
      %dma_wait3A_22 = tpu.memref_squeeze %dma_wait3A_21 : memref<1x80x128xi32, #tpu.memory_space<hbm>> -> memref<80x128xi32, #tpu.memory_space<hbm>>
      tpu.wait_dma2 semaphore(%run_scoped3A : memref<!tpu.dma_semaphore, #tpu.memory_space<semaphore_mem>>) src(%dma_wait3A_22 : memref<80x128xi32, #tpu.memory_space<hbm>>) dst(%arg6 : memref<80x128xi32, #tpu.memory_space<vmem>>)
      tpu.yield
    }) : () -> ()
    %barrier3A = arith.constant 0 : index
    tpu.barrier barrier_id(%barrier3A)
    %scan3A = arith.constant 0 : i32
    %scan3A_3 = arith.constant 0 : i32
    %scan3A_4 = arith.constant 10 : i32
    %scan3A_5 = arith.addi %scan3A_3, %scan3A_4 : i32
    %scan3A_6 = arith.constant 1 : i32
    scf.for %scan3A_9 = %scan3A_3 to %scan3A_5 step %scan3A_6  : i32 {
      %mul3A_10 = arith.constant 8 : i32
      %mul3A_11 = arith.muli %scan3A_9, %mul3A_10 : i32
      %add3A_12 = arith.constant 0 : i32
      %add3A_13 = arith.addi %mul3A_11, %add3A_12 : i32
      %dma_start3A = arith.constant 0 : i32
      %dma_start3A_14 = tpu.memref_slice %arg6[%add3A_13, %dma_start3A] : memref<80x128xi32, #tpu.memory_space<vmem>> -> memref<1x128xi32, #tpu.memory_space<vmem>>
      %dma_start3A_15 = tpu.memref_squeeze %dma_start3A_14 : memref<1x128xi32, #tpu.memory_space<vmem>> -> memref<128xi32, #tpu.memory_space<vmem>>
      %dma_start3A_16 = arith.constant 0 : i32
      %dma_start3A_17 = arith.constant 0 : i32
      %dma_start3A_18 = tpu.memref_slice %arg8[%dma_start3A_16, %dma_start3A_17] : memref<10240x128xf32, #tpu.memory_space<vmem_shared>> -> memref<10240x128xf32, #tpu.memory_space<vmem_shared>>
      tpu.enqueue_indirect_dma source(%arg7 : memref<128x128xf32, #tpu.memory_space<vmem>>) target(%dma_start3A_18 : memref<10240x128xf32, #tpu.memory_space<vmem_shared>>) offsets(%dma_start3A_15 : memref<128xi32, #tpu.memory_space<vmem>>) semaphore(%arg9 : memref<!tpu.dma_semaphore, #tpu.memory_space<semaphore_mem>>) {add = true}
      %add3A_19 = arith.constant 1 : i32
      %add3A_20 = arith.addi %mul3A_11, %add3A_19 : i32
      %dma_start3A_21 = arith.constant 0 : i32
      %dma_start3A_22 = tpu.memref_slice %arg6[%add3A_20, %dma_start3A_21] : memref<80x128xi32, #tpu.memory_space<vmem>> -> memref<1x128xi32, #tpu.memory_space<vmem>>
      %dma_start3A_23 = tpu.memref_squeeze %dma_start3A_22 : memref<1x128xi32, #tpu.memory_space<vmem>> -> memref<128xi32, #tpu.memory_space<vmem>>
      %dma_start3A_24 = arith.constant 0 : i32
      %dma_start3A_25 = arith.constant 0 : i32
      %dma_start3A_26 = tpu.memref_slice %arg8[%dma_start3A_24, %dma_start3A_25] : memref<10240x128xf32, #tpu.memory_space<vmem_shared>> -> memref<10240x128xf32, #tpu.memory_space<vmem_shared>>
      tpu.enqueue_indirect_dma source(%arg7 : memref<128x128xf32, #tpu.memory_space<vmem>>) target(%dma_start3A_26 : memref<10240x128xf32, #tpu.memory_space<vmem_shared>>) offsets(%dma_start3A_23 : memref<128xi32, #tpu.memory_space<vmem>>) semaphore(%arg9 : memref<!tpu.dma_semaphore, #tpu.memory_space<semaphore_mem>>) {add = true}
      %add3A_27 = arith.constant 2 : i32
      %add3A_28 = arith.addi %mul3A_11, %add3A_27 : i32
      %dma_start3A_29 = arith.constant 0 : i32
      %dma_start3A_30 = tpu.memref_slice %arg6[%add3A_28, %dma_start3A_29] : memref<80x128xi32, #tpu.memory_space<vmem>> -> memref<1x128xi32, #tpu.memory_space<vmem>>
      %dma_start3A_31 = tpu.memref_squeeze %dma_start3A_30 : memref<1x128xi32, #tpu.memory_space<vmem>> -> memref<128xi32, #tpu.memory_space<vmem>>
      %dma_start3A_32 = arith.constant 0 : i32
      %dma_start3A_33 = arith.constant 0 : i32
      %dma_start3A_34 = tpu.memref_slice %arg8[%dma_start3A_32, %dma_start3A_33] : memref<10240x128xf32, #tpu.memory_space<vmem_shared>> -> memref<10240x128xf32, #tpu.memory_space<vmem_shared>>
      tpu.enqueue_indirect_dma source(%arg7 : memref<128x128xf32, #tpu.memory_space<vmem>>) target(%dma_start3A_34 : memref<10240x128xf32, #tpu.memory_space<vmem_shared>>) offsets(%dma_start3A_31 : memref<128xi32, #tpu.memory_space<vmem>>) semaphore(%arg9 : memref<!tpu.dma_semaphore, #tpu.memory_space<semaphore_mem>>) {add = true}
      %add3A_35 = arith.constant 3 : i32
      %add3A_36 = arith.addi %mul3A_11, %add3A_35 : i32
      %dma_start3A_37 = arith.constant 0 : i32
      %dma_start3A_38 = tpu.memref_slice %arg6[%add3A_36, %dma_start3A_37] : memref<80x128xi32, #tpu.memory_space<vmem>> -> memref<1x128xi32, #tpu.memory_space<vmem>>
      %dma_start3A_39 = tpu.memref_squeeze %dma_start3A_38 : memref<1x128xi32, #tpu.memory_space<vmem>> -> memref<128xi32, #tpu.memory_space<vmem>>
      %dma_start3A_40 = arith.constant 0 : i32
      %dma_start3A_41 = arith.constant 0 : i32
      %dma_start3A_42 = tpu.memref_slice %arg8[%dma_start3A_40, %dma_start3A_41] : memref<10240x128xf32, #tpu.memory_space<vmem_shared>> -> memref<10240x128xf32, #tpu.memory_space<vmem_shared>>
      tpu.enqueue_indirect_dma source(%arg7 : memref<128x128xf32, #tpu.memory_space<vmem>>) target(%dma_start3A_42 : memref<10240x128xf32, #tpu.memory_space<vmem_shared>>) offsets(%dma_start3A_39 : memref<128xi32, #tpu.memory_space<vmem>>) semaphore(%arg9 : memref<!tpu.dma_semaphore, #tpu.memory_space<semaphore_mem>>) {add = true}
      %add3A_43 = arith.constant 4 : i32
      %add3A_44 = arith.addi %mul3A_11, %add3A_43 : i32
      %dma_start3A_45 = arith.constant 0 : i32
      %dma_start3A_46 = tpu.memref_slice %arg6[%add3A_44, %dma_start3A_45] : memref<80x128xi32, #tpu.memory_space<vmem>> -> memref<1x128xi32, #tpu.memory_space<vmem>>
      %dma_start3A_47 = tpu.memref_squeeze %dma_start3A_46 : memref<1x128xi32, #tpu.memory_space<vmem>> -> memref<128xi32, #tpu.memory_space<vmem>>
      %dma_start3A_48 = arith.constant 0 : i32
      %dma_start3A_49 = arith.constant 0 : i32
      %dma_start3A_50 = tpu.memref_slice %arg8[%dma_start3A_48, %dma_start3A_49] : memref<10240x128xf32, #tpu.memory_space<vmem_shared>> -> memref<10240x128xf32, #tpu.memory_space<vmem_shared>>
      tpu.enqueue_indirect_dma source(%arg7 : memref<128x128xf32, #tpu.memory_space<vmem>>) target(%dma_start3A_50 : memref<10240x128xf32, #tpu.memory_space<vmem_shared>>) offsets(%dma_start3A_47 : memref<128xi32, #tpu.memory_space<vmem>>) semaphore(%arg9 : memref<!tpu.dma_semaphore, #tpu.memory_space<semaphore_mem>>) {add = true}
      %add3A_51 = arith.constant 5 : i32
      %add3A_52 = arith.addi %mul3A_11, %add3A_51 : i32
      %dma_start3A_53 = arith.constant 0 : i32
      %dma_start3A_54 = tpu.memref_slice %arg6[%add3A_52, %dma_start3A_53] : memref<80x128xi32, #tpu.memory_space<vmem>> -> memref<1x128xi32, #tpu.memory_space<vmem>>
      %dma_start3A_55 = tpu.memref_squeeze %dma_start3A_54 : memref<1x128xi32, #tpu.memory_space<vmem>> -> memref<128xi32, #tpu.memory_space<vmem>>
      %dma_start3A_56 = arith.constant 0 : i32
      %dma_start3A_57 = arith.constant 0 : i32
      %dma_start3A_58 = tpu.memref_slice %arg8[%dma_start3A_56, %dma_start3A_57] : memref<10240x128xf32, #tpu.memory_space<vmem_shared>> -> memref<10240x128xf32, #tpu.memory_space<vmem_shared>>
      tpu.enqueue_indirect_dma source(%arg7 : memref<128x128xf32, #tpu.memory_space<vmem>>) target(%dma_start3A_58 : memref<10240x128xf32, #tpu.memory_space<vmem_shared>>) offsets(%dma_start3A_55 : memref<128xi32, #tpu.memory_space<vmem>>) semaphore(%arg9 : memref<!tpu.dma_semaphore, #tpu.memory_space<semaphore_mem>>) {add = true}
      %add3A_59 = arith.constant 6 : i32
      %add3A_60 = arith.addi %mul3A_11, %add3A_59 : i32
      %dma_start3A_61 = arith.constant 0 : i32
      %dma_start3A_62 = tpu.memref_slice %arg6[%add3A_60, %dma_start3A_61] : memref<80x128xi32, #tpu.memory_space<vmem>> -> memref<1x128xi32, #tpu.memory_space<vmem>>
      %dma_start3A_63 = tpu.memref_squeeze %dma_start3A_62 : memref<1x128xi32, #tpu.memory_space<vmem>> -> memref<128xi32, #tpu.memory_space<vmem>>
      %dma_start3A_64 = arith.constant 0 : i32
      %dma_start3A_65 = arith.constant 0 : i32
      %dma_start3A_66 = tpu.memref_slice %arg8[%dma_start3A_64, %dma_start3A_65] : memref<10240x128xf32, #tpu.memory_space<vmem_shared>> -> memref<10240x128xf32, #tpu.memory_space<vmem_shared>>
      tpu.enqueue_indirect_dma source(%arg7 : memref<128x128xf32, #tpu.memory_space<vmem>>) target(%dma_start3A_66 : memref<10240x128xf32, #tpu.memory_space<vmem_shared>>) offsets(%dma_start3A_63 : memref<128xi32, #tpu.memory_space<vmem>>) semaphore(%arg9 : memref<!tpu.dma_semaphore, #tpu.memory_space<semaphore_mem>>) {add = true}
      %add3A_67 = arith.constant 7 : i32
      %add3A_68 = arith.addi %mul3A_11, %add3A_67 : i32
      %dma_start3A_69 = arith.constant 0 : i32
      %dma_start3A_70 = tpu.memref_slice %arg6[%add3A_68, %dma_start3A_69] : memref<80x128xi32, #tpu.memory_space<vmem>> -> memref<1x128xi32, #tpu.memory_space<vmem>>
      %dma_start3A_71 = tpu.memref_squeeze %dma_start3A_70 : memref<1x128xi32, #tpu.memory_space<vmem>> -> memref<128xi32, #tpu.memory_space<vmem>>
      %dma_start3A_72 = arith.constant 0 : i32
      %dma_start3A_73 = arith.constant 0 : i32
      %dma_start3A_74 = tpu.memref_slice %arg8[%dma_start3A_72, %dma_start3A_73] : memref<10240x128xf32, #tpu.memory_space<vmem_shared>> -> memref<10240x128xf32, #tpu.memory_space<vmem_shared>>
      tpu.enqueue_indirect_dma source(%arg7 : memref<128x128xf32, #tpu.memory_space<vmem>>) target(%dma_start3A_74 : memref<10240x128xf32, #tpu.memory_space<vmem_shared>>) offsets(%dma_start3A_71 : memref<128xi32, #tpu.memory_space<vmem>>) semaphore(%arg9 : memref<!tpu.dma_semaphore, #tpu.memory_space<semaphore_mem>>) {add = true}
      tpu.wait_dma2 semaphore(%arg9 : memref<!tpu.dma_semaphore, #tpu.memory_space<semaphore_mem>>) src(%arg4 : memref<128x128xf32, #tpu.memory_space<hbm>>) dst(%arg7 : memref<128x128xf32, #tpu.memory_space<vmem>>)
      tpu.wait_dma2 semaphore(%arg9 : memref<!tpu.dma_semaphore, #tpu.memory_space<semaphore_mem>>) src(%arg4 : memref<128x128xf32, #tpu.memory_space<hbm>>) dst(%arg7 : memref<128x128xf32, #tpu.memory_space<vmem>>)
      tpu.wait_dma2 semaphore(%arg9 : memref<!tpu.dma_semaphore, #tpu.memory_space<semaphore_mem>>) src(%arg4 : memref<128x128xf32, #tpu.memory_space<hbm>>) dst(%arg7 : memref<128x128xf32, #tpu.memory_space<vmem>>)
      tpu.wait_dma2 semaphore(%arg9 : memref<!tpu.dma_semaphore, #tpu.memory_space<semaphore_mem>>) src(%arg4 : memref<128x128xf32, #tpu.memory_space<hbm>>) dst(%arg7 : memref<128x128xf32, #tpu.memory_space<vmem>>)
      tpu.wait_dma2 semaphore(%arg9 : memref<!tpu.dma_semaphore, #tpu.memory_space<semaphore_mem>>) src(%arg4 : memref<128x128xf32, #tpu.memory_space<hbm>>) dst(%arg7 : memref<128x128xf32, #tpu.memory_space<vmem>>)
      tpu.wait_dma2 semaphore(%arg9 : memref<!tpu.dma_semaphore, #tpu.memory_space<semaphore_mem>>) src(%arg4 : memref<128x128xf32, #tpu.memory_space<hbm>>) dst(%arg7 : memref<128x128xf32, #tpu.memory_space<vmem>>)
      tpu.wait_dma2 semaphore(%arg9 : memref<!tpu.dma_semaphore, #tpu.memory_space<semaphore_mem>>) src(%arg4 : memref<128x128xf32, #tpu.memory_space<hbm>>) dst(%arg7 : memref<128x128xf32, #tpu.memory_space<vmem>>)
      tpu.wait_dma2 semaphore(%arg9 : memref<!tpu.dma_semaphore, #tpu.memory_space<semaphore_mem>>) src(%arg4 : memref<128x128xf32, #tpu.memory_space<hbm>>) dst(%arg7 : memref<128x128xf32, #tpu.memory_space<vmem>>)
    }
    %scan3A_7 = arith.constant 10 : i32
    %barrier3A_8 = arith.constant 0 : index
    tpu.barrier barrier_id(%barrier3A_8)
    "tpu.region"() ({
      %run_scoped3A = tpu.sem_alloc : memref<!tpu.dma_semaphore, #tpu.memory_space<semaphore_mem>>
      %dma_start3A = arith.constant 0 : i32
      %dma_start3A_9 = tpu.memref_slice %arg5[%arg0, %mul3A_2, %dma_start3A] : memref<2x10240x128xf32, #tpu.memory_space<hbm>> -> memref<1x640x128xf32, #tpu.memory_space<hbm>>
      %dma_start3A_10 = tpu.memref_squeeze %dma_start3A_9 : memref<1x640x128xf32, #tpu.memory_space<hbm>> -> memref<640x128xf32, #tpu.memory_space<hbm>>
      %dma_start3A_11 = arith.constant 0 : i32
      %dma_start3A_12 = tpu.memref_slice %arg8[%mul3A_2, %dma_start3A_11] : memref<10240x128xf32, #tpu.memory_space<vmem_shared>> -> memref<640x128xf32, #tpu.memory_space<vmem_shared>>
      tpu.enqueue_dma source(%dma_start3A_12 : memref<640x128xf32, #tpu.memory_space<vmem_shared>>) target(%dma_start3A_10 : memref<640x128xf32, #tpu.memory_space<hbm>>) target_semaphore(%run_scoped3A : memref<!tpu.dma_semaphore, #tpu.memory_space<semaphore_mem>>)
      %dma_wait3A = arith.constant 0 : i32
      %dma_wait3A_13 = tpu.memref_slice %arg5[%arg0, %mul3A_2, %dma_wait3A] : memref<2x10240x128xf32, #tpu.memory_space<hbm>> -> memref<1x640x128xf32, #tpu.memory_space<hbm>>
      %dma_wait3A_14 = tpu.memref_squeeze %dma_wait3A_13 : memref<1x640x128xf32, #tpu.memory_space<hbm>> -> memref<640x128xf32, #tpu.memory_space<hbm>>
      %dma_wait3A_15 = arith.constant 0 : i32
      %dma_wait3A_16 = tpu.memref_slice %arg8[%mul3A_2, %dma_wait3A_15] : memref<10240x128xf32, #tpu.memory_space<vmem_shared>> -> memref<640x128xf32, #tpu.memory_space<vmem_shared>>
      tpu.wait_dma2 semaphore(%run_scoped3A : memref<!tpu.dma_semaphore, #tpu.memory_space<semaphore_mem>>) src(%dma_wait3A_16 : memref<640x128xf32, #tpu.memory_space<vmem_shared>>) dst(%dma_wait3A_14 : memref<640x128xf32, #tpu.memory_space<hbm>>)
      tpu.yield
    }) : () -> ()
    return
  }
}

module attributes {stable_mosaic.version = 14 : i64} {
  func.func @_combine_body(%arg0: i32, %arg1: memref<2x1024x128xf32, #tpu.memory_space<vmem>>, %arg2: memref<2x1024x128xf32, #tpu.memory_space<vmem>>, %arg3: memref<1024x128xf32, #tpu.memory_space<vmem>>, %arg4: memref<128x128xf32, #tpu.memory_space<vmem>>, %arg5: memref<1x128xf32, #tpu.memory_space<vmem>>, %arg6: memref<128x128xf32, #tpu.memory_space<vmem>>, %arg7: memref<1024x128xf32, #tpu.memory_space<vmem>>) attributes {dimension_semantics = [#tpu.dimension_semantics<arbitrary>], iteration_bounds = array<i64: 10>, scalar_prefetch = 0 : i64, scratch_operands = 0 : i64, tpu.core_type = #tpu.core_type<tc>, window_params = [{transform_indices = @transform_0, window_bounds = array<i64: 2, 1024, 128>}, {transform_indices = @transform_1, window_bounds = array<i64: 2, 1024, 128>}, {transform_indices = @transform_2, window_bounds = array<i64: 1024, 128>}, {pipeline_mode = #tpu.pipeline_mode<synchronous>, transform_indices = @transform_3, window_bounds = array<i64: 128, 128>}, {pipeline_mode = #tpu.pipeline_mode<synchronous>, transform_indices = @transform_4, window_bounds = array<i64: 1, 128>}, {pipeline_mode = #tpu.pipeline_mode<synchronous>, transform_indices = @transform_5, window_bounds = array<i64: 128, 128>}, {transform_indices = @transform_6, window_bounds = array<i64: 1024, 128>}]} {
    %get3A = arith.constant 0 : index
    %get3A_0 = arith.constant 0 : index
    %get3A_1 = arith.constant 0 : index
    %get3A_2 = vector.load %arg1[%get3A, %get3A_0, %get3A_1] : memref<2x1024x128xf32, #tpu.memory_space<vmem>>, vector<1x1024x128xf32>
    %get3A_3 = vector.shape_cast %get3A_2 : vector<1x1024x128xf32> to vector<1024x128xf32>
    %get3A_4 = arith.constant 1 : index
    %get3A_5 = arith.constant 0 : index
    %get3A_6 = arith.constant 0 : index
    %get3A_7 = vector.load %arg1[%get3A_4, %get3A_5, %get3A_6] : memref<2x1024x128xf32, #tpu.memory_space<vmem>>, vector<1x1024x128xf32>
    %get3A_8 = vector.shape_cast %get3A_7 : vector<1x1024x128xf32> to vector<1024x128xf32>
    %add3A = arith.addf %get3A_3, %get3A_8 : vector<1024x128xf32>
    %get3A_9 = arith.constant 0 : index
    %get3A_10 = arith.constant 0 : index
    %get3A_11 = arith.constant 0 : index
    %get3A_12 = vector.load %arg2[%get3A_9, %get3A_10, %get3A_11] : memref<2x1024x128xf32, #tpu.memory_space<vmem>>, vector<1x1024x1xf32>
    %get3A_13 = vector.shape_cast %get3A_12 : vector<1x1024x1xf32> to vector<1024x1xf32>
    %get3A_14 = arith.constant 1 : index
    %get3A_15 = arith.constant 0 : index
    %get3A_16 = arith.constant 0 : index
    %get3A_17 = vector.load %arg2[%get3A_14, %get3A_15, %get3A_16] : memref<2x1024x128xf32, #tpu.memory_space<vmem>>, vector<1x1024x1xf32>
    %get3A_18 = vector.shape_cast %get3A_17 : vector<1x1024x1xf32> to vector<1024x1xf32>
    %add3A_19 = arith.addf %get3A_13, %get3A_18 : vector<1024x1xf32>
    %max3A = arith.constant 1.000000e+00 : f32
    %max3A_20 = vector.broadcast %max3A : f32 to vector<1024x1xf32>
    %max3A_21 = arith.maximumf %add3A_19, %max3A_20 : vector<1024x1xf32>
    %div3A = vector.broadcast %max3A_21 : vector<1024x1xf32> to vector<1024x128xf32>
    %div3A_22 = arith.divf %add3A, %div3A : vector<1024x128xf32>
    %get3A_23 = arith.constant 0 : index
    %get3A_24 = arith.constant 0 : index
    %get3A_25 = vector.load %arg4[%get3A_23, %get3A_24] : memref<128x128xf32, #tpu.memory_space<vmem>>, vector<128x128xf32>
    %dot_general3A = arith.constant dense<0.000000e+00> : vector<1024x128xf32>
    %dot_general3A_26 = tpu.matmul %div3A_22, %get3A_25, %dot_general3A {dimension_numbers = #tpu.dot_dimension_numbers<[1], [0], [0], [1], [0, 0, 1, 1], [], []>, transpose_lhs_hint = false} : vector<1024x128xf32>, vector<128x128xf32>, vector<1024x128xf32> -> vector<1024x128xf32>
    %get3A_27 = arith.constant 0 : index
    %get3A_28 = arith.constant 0 : index
    %get3A_29 = vector.load %arg5[%get3A_27, %get3A_28] : memref<1x128xf32, #tpu.memory_space<vmem>>, vector<1x128xf32>
    %add3A_30 = vector.broadcast %get3A_29 : vector<1x128xf32> to vector<1024x128xf32>
    %add3A_31 = arith.addf %dot_general3A_26, %add3A_30 : vector<1024x128xf32>
    %get3A_32 = arith.constant 0 : index
    %get3A_33 = arith.constant 0 : index
    %get3A_34 = vector.load %arg3[%get3A_32, %get3A_33] : memref<1024x128xf32, #tpu.memory_space<vmem>>, vector<1024x128xf32>
    %get3A_35 = arith.constant 0 : index
    %get3A_36 = arith.constant 0 : index
    %get3A_37 = vector.load %arg6[%get3A_35, %get3A_36] : memref<128x128xf32, #tpu.memory_space<vmem>>, vector<128x128xf32>
    %dot_general3A_38 = arith.constant dense<0.000000e+00> : vector<1024x128xf32>
    %dot_general3A_39 = tpu.matmul %get3A_34, %get3A_37, %dot_general3A_38 {dimension_numbers = #tpu.dot_dimension_numbers<[1], [0], [0], [1], [0, 0, 1, 1], [], []>, transpose_lhs_hint = false} : vector<1024x128xf32>, vector<128x128xf32>, vector<1024x128xf32> -> vector<1024x128xf32>
    %add3A_40 = arith.addf %add3A_31, %dot_general3A_39 : vector<1024x128xf32>
    %max3A_41 = arith.constant 0.000000e+00 : f32
    %max3A_42 = vector.broadcast %max3A_41 : f32 to vector<1024x128xf32>
    %max3A_43 = arith.maximumf %add3A_40, %max3A_42 : vector<1024x128xf32>
    %swap3A = arith.constant 0 : index
    %swap3A_44 = arith.constant 0 : index
    %swap3A_45 = vector.load %arg7[%swap3A, %swap3A_44] : memref<1024x128xf32, #tpu.memory_space<vmem>>, vector<1024x128xf32>
    tpu.vector_store %arg7[%swap3A, %swap3A_44], %max3A_43 {strides = array<i32>} : memref<1024x128xf32, #tpu.memory_space<vmem>>, vector<1024x128xf32>,
    return
  }
  func.func @transform_0(%arg0: i32) -> (i32, i32, i32) {
    %c0_i32 = arith.constant 0 : i32
    %c0_i32_0 = arith.constant 0 : i32
    %c0_i32_1 = arith.constant 0 : i32
    return %c0_i32, %arg0, %c0_i32_0 : i32, i32, i32
  }
  func.func @transform_1(%arg0: i32) -> (i32, i32, i32) {
    %c0_i32 = arith.constant 0 : i32
    %c0_i32_0 = arith.constant 0 : i32
    %c0_i32_1 = arith.constant 0 : i32
    return %c0_i32, %arg0, %c0_i32_0 : i32, i32, i32
  }
  func.func @transform_2(%arg0: i32) -> (i32, i32) {
    %c0_i32 = arith.constant 0 : i32
    %c0_i32_0 = arith.constant 0 : i32
    return %arg0, %c0_i32 : i32, i32
  }
  func.func @transform_3(%arg0: i32) -> (i32, i32) {
    %c0_i32 = arith.constant 0 : i32
    %c0_i32_0 = arith.constant 0 : i32
    %c0_i32_1 = arith.constant 0 : i32
    return %c0_i32, %c0_i32_0 : i32, i32
  }
  func.func @transform_4(%arg0: i32) -> (i32, i32) {
    %c0_i32 = arith.constant 0 : i32
    %c0_i32_0 = arith.constant 0 : i32
    %c0_i32_1 = arith.constant 0 : i32
    return %c0_i32, %c0_i32_0 : i32, i32
  }
  func.func @transform_5(%arg0: i32) -> (i32, i32) {
    %c0_i32 = arith.constant 0 : i32
    %c0_i32_0 = arith.constant 0 : i32
    %c0_i32_1 = arith.constant 0 : i32
    return %c0_i32, %c0_i32_0 : i32, i32
  }
  func.func @transform_6(%arg0: i32) -> (i32, i32) {
    %c0_i32 = arith.constant 0 : i32
    %c0_i32_0 = arith.constant 0 : i32
    return %arg0, %c0_i32 : i32, i32
  }
}

module attributes {stable_mosaic.version = 14 : i64} {
  func.func @_kan_body(%arg0: i32, %arg1: memref<1024x128xf32, #tpu.memory_space<vmem>>, %arg2: memref<128x64xf32, #tpu.memory_space<vmem>>, %arg3: memref<8x128x64xf32, #tpu.memory_space<vmem>>, %arg4: memref<128x64xf32, #tpu.memory_space<vmem>>, %arg5: memref<64x16xf32, #tpu.memory_space<vmem>>, %arg6: memref<8x64x16xf32, #tpu.memory_space<vmem>>, %arg7: memref<64x16xf32, #tpu.memory_space<vmem>>, %arg8: memref<1024x16xf32, #tpu.memory_space<vmem>>) attributes {dimension_semantics = [#tpu.dimension_semantics<arbitrary>], iteration_bounds = array<i64: 10>, scalar_prefetch = 0 : i64, scratch_operands = 0 : i64, tpu.core_type = #tpu.core_type<tc>, window_params = [{transform_indices = @transform_0, window_bounds = array<i64: 1024, 128>}, {pipeline_mode = #tpu.pipeline_mode<synchronous>, transform_indices = @transform_1, window_bounds = array<i64: 128, 64>}, {pipeline_mode = #tpu.pipeline_mode<synchronous>, transform_indices = @transform_2, window_bounds = array<i64: 8, 128, 64>}, {pipeline_mode = #tpu.pipeline_mode<synchronous>, transform_indices = @transform_3, window_bounds = array<i64: 128, 64>}, {pipeline_mode = #tpu.pipeline_mode<synchronous>, transform_indices = @transform_4, window_bounds = array<i64: 64, 16>}, {pipeline_mode = #tpu.pipeline_mode<synchronous>, transform_indices = @transform_5, window_bounds = array<i64: 8, 64, 16>}, {pipeline_mode = #tpu.pipeline_mode<synchronous>, transform_indices = @transform_6, window_bounds = array<i64: 64, 16>}, {transform_indices = @transform_7, window_bounds = array<i64: 1024, 16>}]} {
    %get3A = arith.constant 0 : index
    %get3A_0 = arith.constant 0 : index
    %get3A_1 = vector.load %arg1[%get3A, %get3A_0] : memref<1024x128xf32, #tpu.memory_space<vmem>>, vector<1024x128xf32>
    %neg3A = arith.constant 0.000000e+00 : f32
    %neg3A_2 = vector.broadcast %neg3A : f32 to vector<1024x128xf32>
    %neg3A_3 = arith.subf %neg3A_2, %get3A_1 : vector<1024x128xf32>
    %exp3A = math.exp %neg3A_3 : vector<1024x128xf32>
    %add3A = arith.constant 1.000000e+00 : f32
    %add3A_4 = vector.broadcast %add3A : f32 to vector<1024x128xf32>
    %add3A_5 = arith.addf %add3A_4, %exp3A : vector<1024x128xf32>
    %div3A = arith.divf %get3A_1, %add3A_5 : vector<1024x128xf32>
    %get3A_6 = arith.constant 0 : index
    %get3A_7 = arith.constant 0 : index
    %get3A_8 = vector.load %arg2[%get3A_6, %get3A_7] : memref<128x64xf32, #tpu.memory_space<vmem>>, vector<128x64xf32>
    %dot_general3A = arith.constant dense<0.000000e+00> : vector<1024x64xf32>
    %dot_general3A_9 = tpu.matmul %div3A, %get3A_8, %dot_general3A {dimension_numbers = #tpu.dot_dimension_numbers<[1], [0], [0], [1], [0, 0, 1, 1], [], []>, transpose_lhs_hint = false} : vector<1024x128xf32>, vector<128x64xf32>, vector<1024x64xf32> -> vector<1024x64xf32>
    %mul3A = arith.constant 2.500000e+00 : f32
    %mul3A_10 = vector.broadcast %mul3A : f32 to vector<1024x128xf32>
    %mul3A_11 = arith.mulf %get3A_1, %mul3A_10 : vector<1024x128xf32>
    %add3A_12 = arith.constant 5.500000e+00 : f32
    %add3A_13 = vector.broadcast %add3A_12 : f32 to vector<1024x128xf32>
    %add3A_14 = arith.addf %mul3A_11, %add3A_13 : vector<1024x128xf32>
    %floor3A = math.floor %add3A_14 : vector<1024x128xf32>
    %sub3A = arith.subf %add3A_14, %floor3A : vector<1024x128xf32>
    %mul3A_15 = arith.mulf %sub3A, %sub3A : vector<1024x128xf32>
    %mul3A_16 = arith.mulf %mul3A_15, %sub3A : vector<1024x128xf32>
    %sub3A_17 = arith.constant 1.000000e+00 : f32
    %sub3A_18 = vector.broadcast %sub3A_17 : f32 to vector<1024x128xf32>
    %sub3A_19 = arith.subf %sub3A_18, %sub3A : vector<1024x128xf32>
    %mul3A_20 = arith.constant 0.166666672 : f32
    %mul3A_21 = vector.broadcast %mul3A_20 : f32 to vector<1024x128xf32>
    %mul3A_22 = arith.mulf %mul3A_16, %mul3A_21 : vector<1024x128xf32>
    %mul3A_23 = arith.constant -3.000000e+00 : f32
    %mul3A_24 = vector.broadcast %mul3A_23 : f32 to vector<1024x128xf32>
    %mul3A_25 = arith.mulf %mul3A_24, %mul3A_16 : vector<1024x128xf32>
    %mul3A_26 = arith.constant 3.000000e+00 : f32
    %mul3A_27 = vector.broadcast %mul3A_26 : f32 to vector<1024x128xf32>
    %mul3A_28 = arith.mulf %mul3A_27, %mul3A_15 : vector<1024x128xf32>
    %add3A_29 = arith.addf %mul3A_25, %mul3A_28 : vector<1024x128xf32>
    %mul3A_30 = arith.constant 3.000000e+00 : f32
    %mul3A_31 = vector.broadcast %mul3A_30 : f32 to vector<1024x128xf32>
    %mul3A_32 = arith.mulf %mul3A_31, %sub3A : vector<1024x128xf32>
    %add3A_33 = arith.addf %add3A_29, %mul3A_32 : vector<1024x128xf32>
    %add3A_34 = arith.constant 1.000000e+00 : f32
    %add3A_35 = vector.broadcast %add3A_34 : f32 to vector<1024x128xf32>
    %add3A_36 = arith.addf %add3A_33, %add3A_35 : vector<1024x128xf32>
    %mul3A_37 = arith.constant 0.166666672 : f32
    %mul3A_38 = vector.broadcast %mul3A_37 : f32 to vector<1024x128xf32>
    %mul3A_39 = arith.mulf %add3A_36, %mul3A_38 : vector<1024x128xf32>
    %mul3A_40 = arith.constant 3.000000e+00 : f32
    %mul3A_41 = vector.broadcast %mul3A_40 : f32 to vector<1024x128xf32>
    %mul3A_42 = arith.mulf %mul3A_41, %mul3A_16 : vector<1024x128xf32>
    %mul3A_43 = arith.constant 6.000000e+00 : f32
    %mul3A_44 = vector.broadcast %mul3A_43 : f32 to vector<1024x128xf32>
    %mul3A_45 = arith.mulf %mul3A_44, %mul3A_15 : vector<1024x128xf32>
    %sub3A_46 = arith.subf %mul3A_42, %mul3A_45 : vector<1024x128xf32>
    %add3A_47 = arith.constant 4.000000e+00 : f32
    %add3A_48 = vector.broadcast %add3A_47 : f32 to vector<1024x128xf32>
    %add3A_49 = arith.addf %sub3A_46, %add3A_48 : vector<1024x128xf32>
    %mul3A_50 = arith.constant 0.166666672 : f32
    %mul3A_51 = vector.broadcast %mul3A_50 : f32 to vector<1024x128xf32>
    %mul3A_52 = arith.mulf %add3A_49, %mul3A_51 : vector<1024x128xf32>
    %mul3A_53 = arith.mulf %sub3A_19, %sub3A_19 : vector<1024x128xf32>
    %mul3A_54 = arith.mulf %mul3A_53, %sub3A_19 : vector<1024x128xf32>
    %mul3A_55 = arith.constant 0.166666672 : f32
    %mul3A_56 = vector.broadcast %mul3A_55 : f32 to vector<1024x128xf32>
    %mul3A_57 = arith.mulf %mul3A_54, %mul3A_56 : vector<1024x128xf32>
    %get3A_58 = arith.constant 0 : index
    %get3A_59 = arith.constant 0 : index
    %get3A_60 = vector.load %arg4[%get3A_58, %get3A_59] : memref<128x64xf32, #tpu.memory_space<vmem>>, vector<128x64xf32>
    %broadcast_in_dim3A = arith.constant 0.000000e+00 : f32
    %broadcast_in_dim3A_61 = vector.broadcast %broadcast_in_dim3A : f32 to vector<1024x64xf32>
    %sub3A_62 = arith.constant 0.000000e+00 : f32
    %sub3A_63 = vector.broadcast %sub3A_62 : f32 to vector<1024x128xf32>
    %sub3A_64 = arith.subf %floor3A, %sub3A_63 : vector<1024x128xf32>
    %eq3A = arith.constant 0.000000e+00 : f32
    %eq3A_65 = vector.broadcast %eq3A : f32 to vector<1024x128xf32>
    %eq3A_66 = arith.cmpf oeq, %sub3A_64, %eq3A_65 : vector<1024x128xf32>
    %eq3A_67 = arith.constant 1.000000e+00 : f32
    %eq3A_68 = vector.broadcast %eq3A_67 : f32 to vector<1024x128xf32>
    %eq3A_69 = arith.cmpf oeq, %sub3A_64, %eq3A_68 : vector<1024x128xf32>
    %eq3A_70 = arith.constant 2.000000e+00 : f32
    %eq3A_71 = vector.broadcast %eq3A_70 : f32 to vector<1024x128xf32>
    %eq3A_72 = arith.cmpf oeq, %sub3A_64, %eq3A_71 : vector<1024x128xf32>
    %eq3A_73 = arith.constant 3.000000e+00 : f32
    %eq3A_74 = vector.broadcast %eq3A_73 : f32 to vector<1024x128xf32>
    %eq3A_75 = arith.cmpf oeq, %sub3A_64, %eq3A_74 : vector<1024x128xf32>
    %jit3A = arith.constant 0.000000e+00 : f32
    %broadcast_in_dim3A_76 = vector.broadcast %jit3A : f32 to vector<1024x128xf32>
    %select_n3A = arith.select %eq3A_75, %mul3A_57, %broadcast_in_dim3A_76 : vector<1024x128xi1>, vector<1024x128xf32>
    %select_n3A_77 = arith.select %eq3A_72, %mul3A_52, %select_n3A : vector<1024x128xi1>, vector<1024x128xf32>
    %select_n3A_78 = arith.select %eq3A_69, %mul3A_39, %select_n3A_77 : vector<1024x128xi1>, vector<1024x128xf32>
    %select_n3A_79 = arith.select %eq3A_66, %mul3A_22, %select_n3A_78 : vector<1024x128xi1>, vector<1024x128xf32>
    %get3A_80 = arith.constant 0 : index
    %get3A_81 = arith.constant 0 : index
    %get3A_82 = arith.constant 0 : index
    %get3A_83 = vector.load %arg3[%get3A_80, %get3A_81, %get3A_82] : memref<8x128x64xf32, #tpu.memory_space<vmem>>, vector<1x128x64xf32>
    %get3A_84 = vector.shape_cast %get3A_83 : vector<1x128x64xf32> to vector<128x64xf32>
    %mul3A_85 = arith.mulf %get3A_84, %get3A_60 : vector<128x64xf32>
    %dot_general3A_86 = arith.constant dense<0.000000e+00> : vector<1024x64xf32>
    %dot_general3A_87 = tpu.matmul %select_n3A_79, %mul3A_85, %dot_general3A_86 {dimension_numbers = #tpu.dot_dimension_numbers<[1], [0], [0], [1], [0, 0, 1, 1], [], []>, transpose_lhs_hint = false} : vector<1024x128xf32>, vector<128x64xf32>, vector<1024x64xf32> -> vector<1024x64xf32>
    %add3A_88 = arith.addf %broadcast_in_dim3A_61, %dot_general3A_87 : vector<1024x64xf32>
    %sub3A_89 = arith.constant 1.000000e+00 : f32
    %sub3A_90 = vector.broadcast %sub3A_89 : f32 to vector<1024x128xf32>
    %sub3A_91 = arith.subf %floor3A, %sub3A_90 : vector<1024x128xf32>
    %eq3A_92 = arith.constant 0.000000e+00 : f32
    %eq3A_93 = vector.broadcast %eq3A_92 : f32 to vector<1024x128xf32>
    %eq3A_94 = arith.cmpf oeq, %sub3A_91, %eq3A_93 : vector<1024x128xf32>
    %eq3A_95 = arith.constant 1.000000e+00 : f32
    %eq3A_96 = vector.broadcast %eq3A_95 : f32 to vector<1024x128xf32>
    %eq3A_97 = arith.cmpf oeq, %sub3A_91, %eq3A_96 : vector<1024x128xf32>
    %eq3A_98 = arith.constant 2.000000e+00 : f32
    %eq3A_99 = vector.broadcast %eq3A_98 : f32 to vector<1024x128xf32>
    %eq3A_100 = arith.cmpf oeq, %sub3A_91, %eq3A_99 : vector<1024x128xf32>
    %eq3A_101 = arith.constant 3.000000e+00 : f32
    %eq3A_102 = vector.broadcast %eq3A_101 : f32 to vector<1024x128xf32>
    %eq3A_103 = arith.cmpf oeq, %sub3A_91, %eq3A_102 : vector<1024x128xf32>
    %jit3A_104 = arith.constant 0.000000e+00 : f32
    %broadcast_in_dim3A_105 = vector.broadcast %jit3A_104 : f32 to vector<1024x128xf32>
    %select_n3A_106 = arith.select %eq3A_103, %mul3A_57, %broadcast_in_dim3A_105 : vector<1024x128xi1>, vector<1024x128xf32>
    %select_n3A_107 = arith.select %eq3A_100, %mul3A_52, %select_n3A_106 : vector<1024x128xi1>, vector<1024x128xf32>
    %select_n3A_108 = arith.select %eq3A_97, %mul3A_39, %select_n3A_107 : vector<1024x128xi1>, vector<1024x128xf32>
    %select_n3A_109 = arith.select %eq3A_94, %mul3A_22, %select_n3A_108 : vector<1024x128xi1>, vector<1024x128xf32>
    %get3A_110 = arith.constant 1 : index
    %get3A_111 = arith.constant 0 : index
    %get3A_112 = arith.constant 0 : index
    %get3A_113 = vector.load %arg3[%get3A_110, %get3A_111, %get3A_112] : memref<8x128x64xf32, #tpu.memory_space<vmem>>, vector<1x128x64xf32>
    %get3A_114 = vector.shape_cast %get3A_113 : vector<1x128x64xf32> to vector<128x64xf32>
    %mul3A_115 = arith.mulf %get3A_114, %get3A_60 : vector<128x64xf32>
    %dot_general3A_116 = arith.constant dense<0.000000e+00> : vector<1024x64xf32>
    %dot_general3A_117 = tpu.matmul %select_n3A_109, %mul3A_115, %dot_general3A_116 {dimension_numbers = #tpu.dot_dimension_numbers<[1], [0], [0], [1], [0, 0, 1, 1], [], []>, transpose_lhs_hint = false} : vector<1024x128xf32>, vector<128x64xf32>, vector<1024x64xf32> -> vector<1024x64xf32>
    %add3A_118 = arith.addf %add3A_88, %dot_general3A_117 : vector<1024x64xf32>
    %sub3A_119 = arith.constant 2.000000e+00 : f32
    %sub3A_120 = vector.broadcast %sub3A_119 : f32 to vector<1024x128xf32>
    %sub3A_121 = arith.subf %floor3A, %sub3A_120 : vector<1024x128xf32>
    %eq3A_122 = arith.constant 0.000000e+00 : f32
    %eq3A_123 = vector.broadcast %eq3A_122 : f32 to vector<1024x128xf32>
    %eq3A_124 = arith.cmpf oeq, %sub3A_121, %eq3A_123 : vector<1024x128xf32>
    %eq3A_125 = arith.constant 1.000000e+00 : f32
    %eq3A_126 = vector.broadcast %eq3A_125 : f32 to vector<1024x128xf32>
    %eq3A_127 = arith.cmpf oeq, %sub3A_121, %eq3A_126 : vector<1024x128xf32>
    %eq3A_128 = arith.constant 2.000000e+00 : f32
    %eq3A_129 = vector.broadcast %eq3A_128 : f32 to vector<1024x128xf32>
    %eq3A_130 = arith.cmpf oeq, %sub3A_121, %eq3A_129 : vector<1024x128xf32>
    %eq3A_131 = arith.constant 3.000000e+00 : f32
    %eq3A_132 = vector.broadcast %eq3A_131 : f32 to vector<1024x128xf32>
    %eq3A_133 = arith.cmpf oeq, %sub3A_121, %eq3A_132 : vector<1024x128xf32>
    %jit3A_134 = arith.constant 0.000000e+00 : f32
    %broadcast_in_dim3A_135 = vector.broadcast %jit3A_134 : f32 to vector<1024x128xf32>
    %select_n3A_136 = arith.select %eq3A_133, %mul3A_57, %broadcast_in_dim3A_135 : vector<1024x128xi1>, vector<1024x128xf32>
    %select_n3A_137 = arith.select %eq3A_130, %mul3A_52, %select_n3A_136 : vector<1024x128xi1>, vector<1024x128xf32>
    %select_n3A_138 = arith.select %eq3A_127, %mul3A_39, %select_n3A_137 : vector<1024x128xi1>, vector<1024x128xf32>
    %select_n3A_139 = arith.select %eq3A_124, %mul3A_22, %select_n3A_138 : vector<1024x128xi1>, vector<1024x128xf32>
    %get3A_140 = arith.constant 2 : index
    %get3A_141 = arith.constant 0 : index
    %get3A_142 = arith.constant 0 : index
    %get3A_143 = vector.load %arg3[%get3A_140, %get3A_141, %get3A_142] : memref<8x128x64xf32, #tpu.memory_space<vmem>>, vector<1x128x64xf32>
    %get3A_144 = vector.shape_cast %get3A_143 : vector<1x128x64xf32> to vector<128x64xf32>
    %mul3A_145 = arith.mulf %get3A_144, %get3A_60 : vector<128x64xf32>
    %dot_general3A_146 = arith.constant dense<0.000000e+00> : vector<1024x64xf32>
    %dot_general3A_147 = tpu.matmul %select_n3A_139, %mul3A_145, %dot_general3A_146 {dimension_numbers = #tpu.dot_dimension_numbers<[1], [0], [0], [1], [0, 0, 1, 1], [], []>, transpose_lhs_hint = false} : vector<1024x128xf32>, vector<128x64xf32>, vector<1024x64xf32> -> vector<1024x64xf32>
    %add3A_148 = arith.addf %add3A_118, %dot_general3A_147 : vector<1024x64xf32>
    %sub3A_149 = arith.constant 3.000000e+00 : f32
    %sub3A_150 = vector.broadcast %sub3A_149 : f32 to vector<1024x128xf32>
    %sub3A_151 = arith.subf %floor3A, %sub3A_150 : vector<1024x128xf32>
    %eq3A_152 = arith.constant 0.000000e+00 : f32
    %eq3A_153 = vector.broadcast %eq3A_152 : f32 to vector<1024x128xf32>
    %eq3A_154 = arith.cmpf oeq, %sub3A_151, %eq3A_153 : vector<1024x128xf32>
    %eq3A_155 = arith.constant 1.000000e+00 : f32
    %eq3A_156 = vector.broadcast %eq3A_155 : f32 to vector<1024x128xf32>
    %eq3A_157 = arith.cmpf oeq, %sub3A_151, %eq3A_156 : vector<1024x128xf32>
    %eq3A_158 = arith.constant 2.000000e+00 : f32
    %eq3A_159 = vector.broadcast %eq3A_158 : f32 to vector<1024x128xf32>
    %eq3A_160 = arith.cmpf oeq, %sub3A_151, %eq3A_159 : vector<1024x128xf32>
    %eq3A_161 = arith.constant 3.000000e+00 : f32
    %eq3A_162 = vector.broadcast %eq3A_161 : f32 to vector<1024x128xf32>
    %eq3A_163 = arith.cmpf oeq, %sub3A_151, %eq3A_162 : vector<1024x128xf32>
    %jit3A_164 = arith.constant 0.000000e+00 : f32
    %broadcast_in_dim3A_165 = vector.broadcast %jit3A_164 : f32 to vector<1024x128xf32>
    %select_n3A_166 = arith.select %eq3A_163, %mul3A_57, %broadcast_in_dim3A_165 : vector<1024x128xi1>, vector<1024x128xf32>
    %select_n3A_167 = arith.select %eq3A_160, %mul3A_52, %select_n3A_166 : vector<1024x128xi1>, vector<1024x128xf32>
    %select_n3A_168 = arith.select %eq3A_157, %mul3A_39, %select_n3A_167 : vector<1024x128xi1>, vector<1024x128xf32>
    %select_n3A_169 = arith.select %eq3A_154, %mul3A_22, %select_n3A_168 : vector<1024x128xi1>, vector<1024x128xf32>
    %get3A_170 = arith.constant 3 : index
    %get3A_171 = arith.constant 0 : index
    %get3A_172 = arith.constant 0 : index
    %get3A_173 = vector.load %arg3[%get3A_170, %get3A_171, %get3A_172] : memref<8x128x64xf32, #tpu.memory_space<vmem>>, vector<1x128x64xf32>
    %get3A_174 = vector.shape_cast %get3A_173 : vector<1x128x64xf32> to vector<128x64xf32>
    %mul3A_175 = arith.mulf %get3A_174, %get3A_60 : vector<128x64xf32>
    %dot_general3A_176 = arith.constant dense<0.000000e+00> : vector<1024x64xf32>
    %dot_general3A_177 = tpu.matmul %select_n3A_169, %mul3A_175, %dot_general3A_176 {dimension_numbers = #tpu.dot_dimension_numbers<[1], [0], [0], [1], [0, 0, 1, 1], [], []>, transpose_lhs_hint = false} : vector<1024x128xf32>, vector<128x64xf32>, vector<1024x64xf32> -> vector<1024x64xf32>
    %add3A_178 = arith.addf %add3A_148, %dot_general3A_177 : vector<1024x64xf32>
    %sub3A_179 = arith.constant 4.000000e+00 : f32
    %sub3A_180 = vector.broadcast %sub3A_179 : f32 to vector<1024x128xf32>
    %sub3A_181 = arith.subf %floor3A, %sub3A_180 : vector<1024x128xf32>
    %eq3A_182 = arith.constant 0.000000e+00 : f32
    %eq3A_183 = vector.broadcast %eq3A_182 : f32 to vector<1024x128xf32>
    %eq3A_184 = arith.cmpf oeq, %sub3A_181, %eq3A_183 : vector<1024x128xf32>
    %eq3A_185 = arith.constant 1.000000e+00 : f32
    %eq3A_186 = vector.broadcast %eq3A_185 : f32 to vector<1024x128xf32>
    %eq3A_187 = arith.cmpf oeq, %sub3A_181, %eq3A_186 : vector<1024x128xf32>
    %eq3A_188 = arith.constant 2.000000e+00 : f32
    %eq3A_189 = vector.broadcast %eq3A_188 : f32 to vector<1024x128xf32>
    %eq3A_190 = arith.cmpf oeq, %sub3A_181, %eq3A_189 : vector<1024x128xf32>
    %eq3A_191 = arith.constant 3.000000e+00 : f32
    %eq3A_192 = vector.broadcast %eq3A_191 : f32 to vector<1024x128xf32>
    %eq3A_193 = arith.cmpf oeq, %sub3A_181, %eq3A_192 : vector<1024x128xf32>
    %jit3A_194 = arith.constant 0.000000e+00 : f32
    %broadcast_in_dim3A_195 = vector.broadcast %jit3A_194 : f32 to vector<1024x128xf32>
    %select_n3A_196 = arith.select %eq3A_193, %mul3A_57, %broadcast_in_dim3A_195 : vector<1024x128xi1>, vector<1024x128xf32>
    %select_n3A_197 = arith.select %eq3A_190, %mul3A_52, %select_n3A_196 : vector<1024x128xi1>, vector<1024x128xf32>
    %select_n3A_198 = arith.select %eq3A_187, %mul3A_39, %select_n3A_197 : vector<1024x128xi1>, vector<1024x128xf32>
    %select_n3A_199 = arith.select %eq3A_184, %mul3A_22, %select_n3A_198 : vector<1024x128xi1>, vector<1024x128xf32>
    %get3A_200 = arith.constant 4 : index
    %get3A_201 = arith.constant 0 : index
    %get3A_202 = arith.constant 0 : index
    %get3A_203 = vector.load %arg3[%get3A_200, %get3A_201, %get3A_202] : memref<8x128x64xf32, #tpu.memory_space<vmem>>, vector<1x128x64xf32>
    %get3A_204 = vector.shape_cast %get3A_203 : vector<1x128x64xf32> to vector<128x64xf32>
    %mul3A_205 = arith.mulf %get3A_204, %get3A_60 : vector<128x64xf32>
    %dot_general3A_206 = arith.constant dense<0.000000e+00> : vector<1024x64xf32>
    %dot_general3A_207 = tpu.matmul %select_n3A_199, %mul3A_205, %dot_general3A_206 {dimension_numbers = #tpu.dot_dimension_numbers<[1], [0], [0], [1], [0, 0, 1, 1], [], []>, transpose_lhs_hint = false} : vector<1024x128xf32>, vector<128x64xf32>, vector<1024x64xf32> -> vector<1024x64xf32>
    %add3A_208 = arith.addf %add3A_178, %dot_general3A_207 : vector<1024x64xf32>
    %sub3A_209 = arith.constant 5.000000e+00 : f32
    %sub3A_210 = vector.broadcast %sub3A_209 : f32 to vector<1024x128xf32>
    %sub3A_211 = arith.subf %floor3A, %sub3A_210 : vector<1024x128xf32>
    %eq3A_212 = arith.constant 0.000000e+00 : f32
    %eq3A_213 = vector.broadcast %eq3A_212 : f32 to vector<1024x128xf32>
    %eq3A_214 = arith.cmpf oeq, %sub3A_211, %eq3A_213 : vector<1024x128xf32>
    %eq3A_215 = arith.constant 1.000000e+00 : f32
    %eq3A_216 = vector.broadcast %eq3A_215 : f32 to vector<1024x128xf32>
    %eq3A_217 = arith.cmpf oeq, %sub3A_211, %eq3A_216 : vector<1024x128xf32>
    %eq3A_218 = arith.constant 2.000000e+00 : f32
    %eq3A_219 = vector.broadcast %eq3A_218 : f32 to vector<1024x128xf32>
    %eq3A_220 = arith.cmpf oeq, %sub3A_211, %eq3A_219 : vector<1024x128xf32>
    %eq3A_221 = arith.constant 3.000000e+00 : f32
    %eq3A_222 = vector.broadcast %eq3A_221 : f32 to vector<1024x128xf32>
    %eq3A_223 = arith.cmpf oeq, %sub3A_211, %eq3A_222 : vector<1024x128xf32>
    %jit3A_224 = arith.constant 0.000000e+00 : f32
    %broadcast_in_dim3A_225 = vector.broadcast %jit3A_224 : f32 to vector<1024x128xf32>
    %select_n3A_226 = arith.select %eq3A_223, %mul3A_57, %broadcast_in_dim3A_225 : vector<1024x128xi1>, vector<1024x128xf32>
    %select_n3A_227 = arith.select %eq3A_220, %mul3A_52, %select_n3A_226 : vector<1024x128xi1>, vector<1024x128xf32>
    %select_n3A_228 = arith.select %eq3A_217, %mul3A_39, %select_n3A_227 : vector<1024x128xi1>, vector<1024x128xf32>
    %select_n3A_229 = arith.select %eq3A_214, %mul3A_22, %select_n3A_228 : vector<1024x128xi1>, vector<1024x128xf32>
    %get3A_230 = arith.constant 5 : index
    %get3A_231 = arith.constant 0 : index
    %get3A_232 = arith.constant 0 : index
    %get3A_233 = vector.load %arg3[%get3A_230, %get3A_231, %get3A_232] : memref<8x128x64xf32, #tpu.memory_space<vmem>>, vector<1x128x64xf32>
    %get3A_234 = vector.shape_cast %get3A_233 : vector<1x128x64xf32> to vector<128x64xf32>
    %mul3A_235 = arith.mulf %get3A_234, %get3A_60 : vector<128x64xf32>
    %dot_general3A_236 = arith.constant dense<0.000000e+00> : vector<1024x64xf32>
    %dot_general3A_237 = tpu.matmul %select_n3A_229, %mul3A_235, %dot_general3A_236 {dimension_numbers = #tpu.dot_dimension_numbers<[1], [0], [0], [1], [0, 0, 1, 1], [], []>, transpose_lhs_hint = false} : vector<1024x128xf32>, vector<128x64xf32>, vector<1024x64xf32> -> vector<1024x64xf32>
    %add3A_238 = arith.addf %add3A_208, %dot_general3A_237 : vector<1024x64xf32>
    %sub3A_239 = arith.constant 6.000000e+00 : f32
    %sub3A_240 = vector.broadcast %sub3A_239 : f32 to vector<1024x128xf32>
    %sub3A_241 = arith.subf %floor3A, %sub3A_240 : vector<1024x128xf32>
    %eq3A_242 = arith.constant 0.000000e+00 : f32
    %eq3A_243 = vector.broadcast %eq3A_242 : f32 to vector<1024x128xf32>
    %eq3A_244 = arith.cmpf oeq, %sub3A_241, %eq3A_243 : vector<1024x128xf32>
    %eq3A_245 = arith.constant 1.000000e+00 : f32
    %eq3A_246 = vector.broadcast %eq3A_245 : f32 to vector<1024x128xf32>
    %eq3A_247 = arith.cmpf oeq, %sub3A_241, %eq3A_246 : vector<1024x128xf32>
    %eq3A_248 = arith.constant 2.000000e+00 : f32
    %eq3A_249 = vector.broadcast %eq3A_248 : f32 to vector<1024x128xf32>
    %eq3A_250 = arith.cmpf oeq, %sub3A_241, %eq3A_249 : vector<1024x128xf32>
    %eq3A_251 = arith.constant 3.000000e+00 : f32
    %eq3A_252 = vector.broadcast %eq3A_251 : f32 to vector<1024x128xf32>
    %eq3A_253 = arith.cmpf oeq, %sub3A_241, %eq3A_252 : vector<1024x128xf32>
    %jit3A_254 = arith.constant 0.000000e+00 : f32
    %broadcast_in_dim3A_255 = vector.broadcast %jit3A_254 : f32 to vector<1024x128xf32>
    %select_n3A_256 = arith.select %eq3A_253, %mul3A_57, %broadcast_in_dim3A_255 : vector<1024x128xi1>, vector<1024x128xf32>
    %select_n3A_257 = arith.select %eq3A_250, %mul3A_52, %select_n3A_256 : vector<1024x128xi1>, vector<1024x128xf32>
    %select_n3A_258 = arith.select %eq3A_247, %mul3A_39, %select_n3A_257 : vector<1024x128xi1>, vector<1024x128xf32>
    %select_n3A_259 = arith.select %eq3A_244, %mul3A_22, %select_n3A_258 : vector<1024x128xi1>, vector<1024x128xf32>
    %get3A_260 = arith.constant 6 : index
    %get3A_261 = arith.constant 0 : index
    %get3A_262 = arith.constant 0 : index
    %get3A_263 = vector.load %arg3[%get3A_260, %get3A_261, %get3A_262] : memref<8x128x64xf32, #tpu.memory_space<vmem>>, vector<1x128x64xf32>
    %get3A_264 = vector.shape_cast %get3A_263 : vector<1x128x64xf32> to vector<128x64xf32>
    %mul3A_265 = arith.mulf %get3A_264, %get3A_60 : vector<128x64xf32>
    %dot_general3A_266 = arith.constant dense<0.000000e+00> : vector<1024x64xf32>
    %dot_general3A_267 = tpu.matmul %select_n3A_259, %mul3A_265, %dot_general3A_266 {dimension_numbers = #tpu.dot_dimension_numbers<[1], [0], [0], [1], [0, 0, 1, 1], [], []>, transpose_lhs_hint = false} : vector<1024x128xf32>, vector<128x64xf32>, vector<1024x64xf32> -> vector<1024x64xf32>
    %add3A_268 = arith.addf %add3A_238, %dot_general3A_267 : vector<1024x64xf32>
    %sub3A_269 = arith.constant 7.000000e+00 : f32
    %sub3A_270 = vector.broadcast %sub3A_269 : f32 to vector<1024x128xf32>
    %sub3A_271 = arith.subf %floor3A, %sub3A_270 : vector<1024x128xf32>
    %eq3A_272 = arith.constant 0.000000e+00 : f32
    %eq3A_273 = vector.broadcast %eq3A_272 : f32 to vector<1024x128xf32>
    %eq3A_274 = arith.cmpf oeq, %sub3A_271, %eq3A_273 : vector<1024x128xf32>
    %eq3A_275 = arith.constant 1.000000e+00 : f32
    %eq3A_276 = vector.broadcast %eq3A_275 : f32 to vector<1024x128xf32>
    %eq3A_277 = arith.cmpf oeq, %sub3A_271, %eq3A_276 : vector<1024x128xf32>
    %eq3A_278 = arith.constant 2.000000e+00 : f32
    %eq3A_279 = vector.broadcast %eq3A_278 : f32 to vector<1024x128xf32>
    %eq3A_280 = arith.cmpf oeq, %sub3A_271, %eq3A_279 : vector<1024x128xf32>
    %eq3A_281 = arith.constant 3.000000e+00 : f32
    %eq3A_282 = vector.broadcast %eq3A_281 : f32 to vector<1024x128xf32>
    %eq3A_283 = arith.cmpf oeq, %sub3A_271, %eq3A_282 : vector<1024x128xf32>
    %jit3A_284 = arith.constant 0.000000e+00 : f32
    %broadcast_in_dim3A_285 = vector.broadcast %jit3A_284 : f32 to vector<1024x128xf32>
    %select_n3A_286 = arith.select %eq3A_283, %mul3A_57, %broadcast_in_dim3A_285 : vector<1024x128xi1>, vector<1024x128xf32>
    %select_n3A_287 = arith.select %eq3A_280, %mul3A_52, %select_n3A_286 : vector<1024x128xi1>, vector<1024x128xf32>
    %select_n3A_288 = arith.select %eq3A_277, %mul3A_39, %select_n3A_287 : vector<1024x128xi1>, vector<1024x128xf32>
    %select_n3A_289 = arith.select %eq3A_274, %mul3A_22, %select_n3A_288 : vector<1024x128xi1>, vector<1024x128xf32>
    %get3A_290 = arith.constant 7 : index
    %get3A_291 = arith.constant 0 : index
    %get3A_292 = arith.constant 0 : index
    %get3A_293 = vector.load %arg3[%get3A_290, %get3A_291, %get3A_292] : memref<8x128x64xf32, #tpu.memory_space<vmem>>, vector<1x128x64xf32>
    %get3A_294 = vector.shape_cast %get3A_293 : vector<1x128x64xf32> to vector<128x64xf32>
    %mul3A_295 = arith.mulf %get3A_294, %get3A_60 : vector<128x64xf32>
    %dot_general3A_296 = arith.constant dense<0.000000e+00> : vector<1024x64xf32>
    %dot_general3A_297 = tpu.matmul %select_n3A_289, %mul3A_295, %dot_general3A_296 {dimension_numbers = #tpu.dot_dimension_numbers<[1], [0], [0], [1], [0, 0, 1, 1], [], []>, transpose_lhs_hint = false} : vector<1024x128xf32>, vector<128x64xf32>, vector<1024x64xf32> -> vector<1024x64xf32>
    %add3A_298 = arith.addf %add3A_268, %dot_general3A_297 : vector<1024x64xf32>
    %add3A_299 = arith.addf %dot_general3A_9, %add3A_298 : vector<1024x64xf32>
    %neg3A_300 = arith.constant 0.000000e+00 : f32
    %neg3A_301 = vector.broadcast %neg3A_300 : f32 to vector<1024x64xf32>
    %neg3A_302 = arith.subf %neg3A_301, %add3A_299 : vector<1024x64xf32>
    %exp3A_303 = math.exp %neg3A_302 : vector<1024x64xf32>
    %add3A_304 = arith.constant 1.000000e+00 : f32
    %add3A_305 = vector.broadcast %add3A_304 : f32 to vector<1024x64xf32>
    %add3A_306 = arith.addf %add3A_305, %exp3A_303 : vector<1024x64xf32>
    %div3A_307 = arith.divf %add3A_299, %add3A_306 : vector<1024x64xf32>
    %get3A_308 = arith.constant 0 : index
    %get3A_309 = arith.constant 0 : index
    %get3A_310 = vector.load %arg5[%get3A_308, %get3A_309] : memref<64x16xf32, #tpu.memory_space<vmem>>, vector<64x16xf32>
    %dot_general3A_311 = arith.constant dense<0.000000e+00> : vector<1024x16xf32>
    %dot_general3A_312 = tpu.matmul %div3A_307, %get3A_310, %dot_general3A_311 {dimension_numbers = #tpu.dot_dimension_numbers<[1], [0], [0], [1], [0, 0, 1, 1], [], []>, transpose_lhs_hint = false} : vector<1024x64xf32>, vector<64x16xf32>, vector<1024x16xf32> -> vector<1024x16xf32>
    %mul3A_313 = arith.constant 2.500000e+00 : f32
    %mul3A_314 = vector.broadcast %mul3A_313 : f32 to vector<1024x64xf32>
    %mul3A_315 = arith.mulf %add3A_299, %mul3A_314 : vector<1024x64xf32>
    %add3A_316 = arith.constant 5.500000e+00 : f32
    %add3A_317 = vector.broadcast %add3A_316 : f32 to vector<1024x64xf32>
    %add3A_318 = arith.addf %mul3A_315, %add3A_317 : vector<1024x64xf32>
    %floor3A_319 = math.floor %add3A_318 : vector<1024x64xf32>
    %sub3A_320 = arith.subf %add3A_318, %floor3A_319 : vector<1024x64xf32>
    %mul3A_321 = arith.mulf %sub3A_320, %sub3A_320 : vector<1024x64xf32>
    %mul3A_322 = arith.mulf %mul3A_321, %sub3A_320 : vector<1024x64xf32>
    %sub3A_323 = arith.constant 1.000000e+00 : f32
    %sub3A_324 = vector.broadcast %sub3A_323 : f32 to vector<1024x64xf32>
    %sub3A_325 = arith.subf %sub3A_324, %sub3A_320 : vector<1024x64xf32>
    %mul3A_326 = arith.constant 0.166666672 : f32
    %mul3A_327 = vector.broadcast %mul3A_326 : f32 to vector<1024x64xf32>
    %mul3A_328 = arith.mulf %mul3A_322, %mul3A_327 : vector<1024x64xf32>
    %mul3A_329 = arith.constant -3.000000e+00 : f32
    %mul3A_330 = vector.broadcast %mul3A_329 : f32 to vector<1024x64xf32>
    %mul3A_331 = arith.mulf %mul3A_330, %mul3A_322 : vector<1024x64xf32>
    %mul3A_332 = arith.constant 3.000000e+00 : f32
    %mul3A_333 = vector.broadcast %mul3A_332 : f32 to vector<1024x64xf32>
    %mul3A_334 = arith.mulf %mul3A_333, %mul3A_321 : vector<1024x64xf32>
    %add3A_335 = arith.addf %mul3A_331, %mul3A_334 : vector<1024x64xf32>
    %mul3A_336 = arith.constant 3.000000e+00 : f32
    %mul3A_337 = vector.broadcast %mul3A_336 : f32 to vector<1024x64xf32>
    %mul3A_338 = arith.mulf %mul3A_337, %sub3A_320 : vector<1024x64xf32>
    %add3A_339 = arith.addf %add3A_335, %mul3A_338 : vector<1024x64xf32>
    %add3A_340 = arith.constant 1.000000e+00 : f32
    %add3A_341 = vector.broadcast %add3A_340 : f32 to vector<1024x64xf32>
    %add3A_342 = arith.addf %add3A_339, %add3A_341 : vector<1024x64xf32>
    %mul3A_343 = arith.constant 0.166666672 : f32
    %mul3A_344 = vector.broadcast %mul3A_343 : f32 to vector<1024x64xf32>
    %mul3A_345 = arith.mulf %add3A_342, %mul3A_344 : vector<1024x64xf32>
    %mul3A_346 = arith.constant 3.000000e+00 : f32
    %mul3A_347 = vector.broadcast %mul3A_346 : f32 to vector<1024x64xf32>
    %mul3A_348 = arith.mulf %mul3A_347, %mul3A_322 : vector<1024x64xf32>
    %mul3A_349 = arith.constant 6.000000e+00 : f32
    %mul3A_350 = vector.broadcast %mul3A_349 : f32 to vector<1024x64xf32>
    %mul3A_351 = arith.mulf %mul3A_350, %mul3A_321 : vector<1024x64xf32>
    %sub3A_352 = arith.subf %mul3A_348, %mul3A_351 : vector<1024x64xf32>
    %add3A_353 = arith.constant 4.000000e+00 : f32
    %add3A_354 = vector.broadcast %add3A_353 : f32 to vector<1024x64xf32>
    %add3A_355 = arith.addf %sub3A_352, %add3A_354 : vector<1024x64xf32>
    %mul3A_356 = arith.constant 0.166666672 : f32
    %mul3A_357 = vector.broadcast %mul3A_356 : f32 to vector<1024x64xf32>
    %mul3A_358 = arith.mulf %add3A_355, %mul3A_357 : vector<1024x64xf32>
    %mul3A_359 = arith.mulf %sub3A_325, %sub3A_325 : vector<1024x64xf32>
    %mul3A_360 = arith.mulf %mul3A_359, %sub3A_325 : vector<1024x64xf32>
    %mul3A_361 = arith.constant 0.166666672 : f32
    %mul3A_362 = vector.broadcast %mul3A_361 : f32 to vector<1024x64xf32>
    %mul3A_363 = arith.mulf %mul3A_360, %mul3A_362 : vector<1024x64xf32>
    %get3A_364 = arith.constant 0 : index
    %get3A_365 = arith.constant 0 : index
    %get3A_366 = vector.load %arg7[%get3A_364, %get3A_365] : memref<64x16xf32, #tpu.memory_space<vmem>>, vector<64x16xf32>
    %broadcast_in_dim3A_367 = arith.constant 0.000000e+00 : f32
    %broadcast_in_dim3A_368 = vector.broadcast %broadcast_in_dim3A_367 : f32 to vector<1024x16xf32>
    %sub3A_369 = arith.constant 0.000000e+00 : f32
    %sub3A_370 = vector.broadcast %sub3A_369 : f32 to vector<1024x64xf32>
    %sub3A_371 = arith.subf %floor3A_319, %sub3A_370 : vector<1024x64xf32>
    %eq3A_372 = arith.constant 0.000000e+00 : f32
    %eq3A_373 = vector.broadcast %eq3A_372 : f32 to vector<1024x64xf32>
    %eq3A_374 = arith.cmpf oeq, %sub3A_371, %eq3A_373 : vector<1024x64xf32>
    %eq3A_375 = arith.constant 1.000000e+00 : f32
    %eq3A_376 = vector.broadcast %eq3A_375 : f32 to vector<1024x64xf32>
    %eq3A_377 = arith.cmpf oeq, %sub3A_371, %eq3A_376 : vector<1024x64xf32>
    %eq3A_378 = arith.constant 2.000000e+00 : f32
    %eq3A_379 = vector.broadcast %eq3A_378 : f32 to vector<1024x64xf32>
    %eq3A_380 = arith.cmpf oeq, %sub3A_371, %eq3A_379 : vector<1024x64xf32>
    %eq3A_381 = arith.constant 3.000000e+00 : f32
    %eq3A_382 = vector.broadcast %eq3A_381 : f32 to vector<1024x64xf32>
    %eq3A_383 = arith.cmpf oeq, %sub3A_371, %eq3A_382 : vector<1024x64xf32>
    %jit3A_384 = arith.constant 0.000000e+00 : f32
    %broadcast_in_dim3A_385 = vector.broadcast %jit3A_384 : f32 to vector<1024x64xf32>
    %select_n3A_386 = arith.select %eq3A_383, %mul3A_363, %broadcast_in_dim3A_385 : vector<1024x64xi1>, vector<1024x64xf32>
    %select_n3A_387 = arith.select %eq3A_380, %mul3A_358, %select_n3A_386 : vector<1024x64xi1>, vector<1024x64xf32>
    %select_n3A_388 = arith.select %eq3A_377, %mul3A_345, %select_n3A_387 : vector<1024x64xi1>, vector<1024x64xf32>
    %select_n3A_389 = arith.select %eq3A_374, %mul3A_328, %select_n3A_388 : vector<1024x64xi1>, vector<1024x64xf32>
    %get3A_390 = arith.constant 0 : index
    %get3A_391 = arith.constant 0 : index
    %get3A_392 = arith.constant 0 : index
    %get3A_393 = vector.load %arg6[%get3A_390, %get3A_391, %get3A_392] : memref<8x64x16xf32, #tpu.memory_space<vmem>>, vector<1x64x16xf32>
    %get3A_394 = vector.shape_cast %get3A_393 : vector<1x64x16xf32> to vector<64x16xf32>
    %mul3A_395 = arith.mulf %get3A_394, %get3A_366 : vector<64x16xf32>
    %dot_general3A_396 = arith.constant dense<0.000000e+00> : vector<1024x16xf32>
    %dot_general3A_397 = tpu.matmul %select_n3A_389, %mul3A_395, %dot_general3A_396 {dimension_numbers = #tpu.dot_dimension_numbers<[1], [0], [0], [1], [0, 0, 1, 1], [], []>, transpose_lhs_hint = false} : vector<1024x64xf32>, vector<64x16xf32>, vector<1024x16xf32> -> vector<1024x16xf32>
    %add3A_398 = arith.addf %broadcast_in_dim3A_368, %dot_general3A_397 : vector<1024x16xf32>
    %sub3A_399 = arith.constant 1.000000e+00 : f32
    %sub3A_400 = vector.broadcast %sub3A_399 : f32 to vector<1024x64xf32>
    %sub3A_401 = arith.subf %floor3A_319, %sub3A_400 : vector<1024x64xf32>
    %eq3A_402 = arith.constant 0.000000e+00 : f32
    %eq3A_403 = vector.broadcast %eq3A_402 : f32 to vector<1024x64xf32>
    %eq3A_404 = arith.cmpf oeq, %sub3A_401, %eq3A_403 : vector<1024x64xf32>
    %eq3A_405 = arith.constant 1.000000e+00 : f32
    %eq3A_406 = vector.broadcast %eq3A_405 : f32 to vector<1024x64xf32>
    %eq3A_407 = arith.cmpf oeq, %sub3A_401, %eq3A_406 : vector<1024x64xf32>
    %eq3A_408 = arith.constant 2.000000e+00 : f32
    %eq3A_409 = vector.broadcast %eq3A_408 : f32 to vector<1024x64xf32>
    %eq3A_410 = arith.cmpf oeq, %sub3A_401, %eq3A_409 : vector<1024x64xf32>
    %eq3A_411 = arith.constant 3.000000e+00 : f32
    %eq3A_412 = vector.broadcast %eq3A_411 : f32 to vector<1024x64xf32>
    %eq3A_413 = arith.cmpf oeq, %sub3A_401, %eq3A_412 : vector<1024x64xf32>
    %jit3A_414 = arith.constant 0.000000e+00 : f32
    %broadcast_in_dim3A_415 = vector.broadcast %jit3A_414 : f32 to vector<1024x64xf32>
    %select_n3A_416 = arith.select %eq3A_413, %mul3A_363, %broadcast_in_dim3A_415 : vector<1024x64xi1>, vector<1024x64xf32>
    %select_n3A_417 = arith.select %eq3A_410, %mul3A_358, %select_n3A_416 : vector<1024x64xi1>, vector<1024x64xf32>
    %select_n3A_418 = arith.select %eq3A_407, %mul3A_345, %select_n3A_417 : vector<1024x64xi1>, vector<1024x64xf32>
    %select_n3A_419 = arith.select %eq3A_404, %mul3A_328, %select_n3A_418 : vector<1024x64xi1>, vector<1024x64xf32>
    %get3A_420 = arith.constant 1 : index
    %get3A_421 = arith.constant 0 : index
    %get3A_422 = arith.constant 0 : index
    %get3A_423 = vector.load %arg6[%get3A_420, %get3A_421, %get3A_422] : memref<8x64x16xf32, #tpu.memory_space<vmem>>, vector<1x64x16xf32>
    %get3A_424 = vector.shape_cast %get3A_423 : vector<1x64x16xf32> to vector<64x16xf32>
    %mul3A_425 = arith.mulf %get3A_424, %get3A_366 : vector<64x16xf32>
    %dot_general3A_426 = arith.constant dense<0.000000e+00> : vector<1024x16xf32>
    %dot_general3A_427 = tpu.matmul %select_n3A_419, %mul3A_425, %dot_general3A_426 {dimension_numbers = #tpu.dot_dimension_numbers<[1], [0], [0], [1], [0, 0, 1, 1], [], []>, transpose_lhs_hint = false} : vector<1024x64xf32>, vector<64x16xf32>, vector<1024x16xf32> -> vector<1024x16xf32>
    %add3A_428 = arith.addf %add3A_398, %dot_general3A_427 : vector<1024x16xf32>
    %sub3A_429 = arith.constant 2.000000e+00 : f32
    %sub3A_430 = vector.broadcast %sub3A_429 : f32 to vector<1024x64xf32>
    %sub3A_431 = arith.subf %floor3A_319, %sub3A_430 : vector<1024x64xf32>
    %eq3A_432 = arith.constant 0.000000e+00 : f32
    %eq3A_433 = vector.broadcast %eq3A_432 : f32 to vector<1024x64xf32>
    %eq3A_434 = arith.cmpf oeq, %sub3A_431, %eq3A_433 : vector<1024x64xf32>
    %eq3A_435 = arith.constant 1.000000e+00 : f32
    %eq3A_436 = vector.broadcast %eq3A_435 : f32 to vector<1024x64xf32>
    %eq3A_437 = arith.cmpf oeq, %sub3A_431, %eq3A_436 : vector<1024x64xf32>
    %eq3A_438 = arith.constant 2.000000e+00 : f32
    %eq3A_439 = vector.broadcast %eq3A_438 : f32 to vector<1024x64xf32>
    %eq3A_440 = arith.cmpf oeq, %sub3A_431, %eq3A_439 : vector<1024x64xf32>
    %eq3A_441 = arith.constant 3.000000e+00 : f32
    %eq3A_442 = vector.broadcast %eq3A_441 : f32 to vector<1024x64xf32>
    %eq3A_443 = arith.cmpf oeq, %sub3A_431, %eq3A_442 : vector<1024x64xf32>
    %jit3A_444 = arith.constant 0.000000e+00 : f32
    %broadcast_in_dim3A_445 = vector.broadcast %jit3A_444 : f32 to vector<1024x64xf32>
    %select_n3A_446 = arith.select %eq3A_443, %mul3A_363, %broadcast_in_dim3A_445 : vector<1024x64xi1>, vector<1024x64xf32>
    %select_n3A_447 = arith.select %eq3A_440, %mul3A_358, %select_n3A_446 : vector<1024x64xi1>, vector<1024x64xf32>
    %select_n3A_448 = arith.select %eq3A_437, %mul3A_345, %select_n3A_447 : vector<1024x64xi1>, vector<1024x64xf32>
    %select_n3A_449 = arith.select %eq3A_434, %mul3A_328, %select_n3A_448 : vector<1024x64xi1>, vector<1024x64xf32>
    %get3A_450 = arith.constant 2 : index
    %get3A_451 = arith.constant 0 : index
    %get3A_452 = arith.constant 0 : index
    %get3A_453 = vector.load %arg6[%get3A_450, %get3A_451, %get3A_452] : memref<8x64x16xf32, #tpu.memory_space<vmem>>, vector<1x64x16xf32>
    %get3A_454 = vector.shape_cast %get3A_453 : vector<1x64x16xf32> to vector<64x16xf32>
    %mul3A_455 = arith.mulf %get3A_454, %get3A_366 : vector<64x16xf32>
    %dot_general3A_456 = arith.constant dense<0.000000e+00> : vector<1024x16xf32>
    %dot_general3A_457 = tpu.matmul %select_n3A_449, %mul3A_455, %dot_general3A_456 {dimension_numbers = #tpu.dot_dimension_numbers<[1], [0], [0], [1], [0, 0, 1, 1], [], []>, transpose_lhs_hint = false} : vector<1024x64xf32>, vector<64x16xf32>, vector<1024x16xf32> -> vector<1024x16xf32>
    %add3A_458 = arith.addf %add3A_428, %dot_general3A_457 : vector<1024x16xf32>
    %sub3A_459 = arith.constant 3.000000e+00 : f32
    %sub3A_460 = vector.broadcast %sub3A_459 : f32 to vector<1024x64xf32>
    %sub3A_461 = arith.subf %floor3A_319, %sub3A_460 : vector<1024x64xf32>
    %eq3A_462 = arith.constant 0.000000e+00 : f32
    %eq3A_463 = vector.broadcast %eq3A_462 : f32 to vector<1024x64xf32>
    %eq3A_464 = arith.cmpf oeq, %sub3A_461, %eq3A_463 : vector<1024x64xf32>
    %eq3A_465 = arith.constant 1.000000e+00 : f32
    %eq3A_466 = vector.broadcast %eq3A_465 : f32 to vector<1024x64xf32>
    %eq3A_467 = arith.cmpf oeq, %sub3A_461, %eq3A_466 : vector<1024x64xf32>
    %eq3A_468 = arith.constant 2.000000e+00 : f32
    %eq3A_469 = vector.broadcast %eq3A_468 : f32 to vector<1024x64xf32>
    %eq3A_470 = arith.cmpf oeq, %sub3A_461, %eq3A_469 : vector<1024x64xf32>
    %eq3A_471 = arith.constant 3.000000e+00 : f32
    %eq3A_472 = vector.broadcast %eq3A_471 : f32 to vector<1024x64xf32>
    %eq3A_473 = arith.cmpf oeq, %sub3A_461, %eq3A_472 : vector<1024x64xf32>
    %jit3A_474 = arith.constant 0.000000e+00 : f32
    %broadcast_in_dim3A_475 = vector.broadcast %jit3A_474 : f32 to vector<1024x64xf32>
    %select_n3A_476 = arith.select %eq3A_473, %mul3A_363, %broadcast_in_dim3A_475 : vector<1024x64xi1>, vector<1024x64xf32>
    %select_n3A_477 = arith.select %eq3A_470, %mul3A_358, %select_n3A_476 : vector<1024x64xi1>, vector<1024x64xf32>
    %select_n3A_478 = arith.select %eq3A_467, %mul3A_345, %select_n3A_477 : vector<1024x64xi1>, vector<1024x64xf32>
    %select_n3A_479 = arith.select %eq3A_464, %mul3A_328, %select_n3A_478 : vector<1024x64xi1>, vector<1024x64xf32>
    %get3A_480 = arith.constant 3 : index
    %get3A_481 = arith.constant 0 : index
    %get3A_482 = arith.constant 0 : index
    %get3A_483 = vector.load %arg6[%get3A_480, %get3A_481, %get3A_482] : memref<8x64x16xf32, #tpu.memory_space<vmem>>, vector<1x64x16xf32>
    %get3A_484 = vector.shape_cast %get3A_483 : vector<1x64x16xf32> to vector<64x16xf32>
    %mul3A_485 = arith.mulf %get3A_484, %get3A_366 : vector<64x16xf32>
    %dot_general3A_486 = arith.constant dense<0.000000e+00> : vector<1024x16xf32>
    %dot_general3A_487 = tpu.matmul %select_n3A_479, %mul3A_485, %dot_general3A_486 {dimension_numbers = #tpu.dot_dimension_numbers<[1], [0], [0], [1], [0, 0, 1, 1], [], []>, transpose_lhs_hint = false} : vector<1024x64xf32>, vector<64x16xf32>, vector<1024x16xf32> -> vector<1024x16xf32>
    %add3A_488 = arith.addf %add3A_458, %dot_general3A_487 : vector<1024x16xf32>
    %sub3A_489 = arith.constant 4.000000e+00 : f32
    %sub3A_490 = vector.broadcast %sub3A_489 : f32 to vector<1024x64xf32>
    %sub3A_491 = arith.subf %floor3A_319, %sub3A_490 : vector<1024x64xf32>
    %eq3A_492 = arith.constant 0.000000e+00 : f32
    %eq3A_493 = vector.broadcast %eq3A_492 : f32 to vector<1024x64xf32>
    %eq3A_494 = arith.cmpf oeq, %sub3A_491, %eq3A_493 : vector<1024x64xf32>
    %eq3A_495 = arith.constant 1.000000e+00 : f32
    %eq3A_496 = vector.broadcast %eq3A_495 : f32 to vector<1024x64xf32>
    %eq3A_497 = arith.cmpf oeq, %sub3A_491, %eq3A_496 : vector<1024x64xf32>
    %eq3A_498 = arith.constant 2.000000e+00 : f32
    %eq3A_499 = vector.broadcast %eq3A_498 : f32 to vector<1024x64xf32>
    %eq3A_500 = arith.cmpf oeq, %sub3A_491, %eq3A_499 : vector<1024x64xf32>
    %eq3A_501 = arith.constant 3.000000e+00 : f32
    %eq3A_502 = vector.broadcast %eq3A_501 : f32 to vector<1024x64xf32>
    %eq3A_503 = arith.cmpf oeq, %sub3A_491, %eq3A_502 : vector<1024x64xf32>
    %jit3A_504 = arith.constant 0.000000e+00 : f32
    %broadcast_in_dim3A_505 = vector.broadcast %jit3A_504 : f32 to vector<1024x64xf32>
    %select_n3A_506 = arith.select %eq3A_503, %mul3A_363, %broadcast_in_dim3A_505 : vector<1024x64xi1>, vector<1024x64xf32>
    %select_n3A_507 = arith.select %eq3A_500, %mul3A_358, %select_n3A_506 : vector<1024x64xi1>, vector<1024x64xf32>
    %select_n3A_508 = arith.select %eq3A_497, %mul3A_345, %select_n3A_507 : vector<1024x64xi1>, vector<1024x64xf32>
    %select_n3A_509 = arith.select %eq3A_494, %mul3A_328, %select_n3A_508 : vector<1024x64xi1>, vector<1024x64xf32>
    %get3A_510 = arith.constant 4 : index
    %get3A_511 = arith.constant 0 : index
    %get3A_512 = arith.constant 0 : index
    %get3A_513 = vector.load %arg6[%get3A_510, %get3A_511, %get3A_512] : memref<8x64x16xf32, #tpu.memory_space<vmem>>, vector<1x64x16xf32>
    %get3A_514 = vector.shape_cast %get3A_513 : vector<1x64x16xf32> to vector<64x16xf32>
    %mul3A_515 = arith.mulf %get3A_514, %get3A_366 : vector<64x16xf32>
    %dot_general3A_516 = arith.constant dense<0.000000e+00> : vector<1024x16xf32>
    %dot_general3A_517 = tpu.matmul %select_n3A_509, %mul3A_515, %dot_general3A_516 {dimension_numbers = #tpu.dot_dimension_numbers<[1], [0], [0], [1], [0, 0, 1, 1], [], []>, transpose_lhs_hint = false} : vector<1024x64xf32>, vector<64x16xf32>, vector<1024x16xf32> -> vector<1024x16xf32>
    %add3A_518 = arith.addf %add3A_488, %dot_general3A_517 : vector<1024x16xf32>
    %sub3A_519 = arith.constant 5.000000e+00 : f32
    %sub3A_520 = vector.broadcast %sub3A_519 : f32 to vector<1024x64xf32>
    %sub3A_521 = arith.subf %floor3A_319, %sub3A_520 : vector<1024x64xf32>
    %eq3A_522 = arith.constant 0.000000e+00 : f32
    %eq3A_523 = vector.broadcast %eq3A_522 : f32 to vector<1024x64xf32>
    %eq3A_524 = arith.cmpf oeq, %sub3A_521, %eq3A_523 : vector<1024x64xf32>
    %eq3A_525 = arith.constant 1.000000e+00 : f32
    %eq3A_526 = vector.broadcast %eq3A_525 : f32 to vector<1024x64xf32>
    %eq3A_527 = arith.cmpf oeq, %sub3A_521, %eq3A_526 : vector<1024x64xf32>
    %eq3A_528 = arith.constant 2.000000e+00 : f32
    %eq3A_529 = vector.broadcast %eq3A_528 : f32 to vector<1024x64xf32>
    %eq3A_530 = arith.cmpf oeq, %sub3A_521, %eq3A_529 : vector<1024x64xf32>
    %eq3A_531 = arith.constant 3.000000e+00 : f32
    %eq3A_532 = vector.broadcast %eq3A_531 : f32 to vector<1024x64xf32>
    %eq3A_533 = arith.cmpf oeq, %sub3A_521, %eq3A_532 : vector<1024x64xf32>
    %jit3A_534 = arith.constant 0.000000e+00 : f32
    %broadcast_in_dim3A_535 = vector.broadcast %jit3A_534 : f32 to vector<1024x64xf32>
    %select_n3A_536 = arith.select %eq3A_533, %mul3A_363, %broadcast_in_dim3A_535 : vector<1024x64xi1>, vector<1024x64xf32>
    %select_n3A_537 = arith.select %eq3A_530, %mul3A_358, %select_n3A_536 : vector<1024x64xi1>, vector<1024x64xf32>
    %select_n3A_538 = arith.select %eq3A_527, %mul3A_345, %select_n3A_537 : vector<1024x64xi1>, vector<1024x64xf32>
    %select_n3A_539 = arith.select %eq3A_524, %mul3A_328, %select_n3A_538 : vector<1024x64xi1>, vector<1024x64xf32>
    %get3A_540 = arith.constant 5 : index
    %get3A_541 = arith.constant 0 : index
    %get3A_542 = arith.constant 0 : index
    %get3A_543 = vector.load %arg6[%get3A_540, %get3A_541, %get3A_542] : memref<8x64x16xf32, #tpu.memory_space<vmem>>, vector<1x64x16xf32>
    %get3A_544 = vector.shape_cast %get3A_543 : vector<1x64x16xf32> to vector<64x16xf32>
    %mul3A_545 = arith.mulf %get3A_544, %get3A_366 : vector<64x16xf32>
    %dot_general3A_546 = arith.constant dense<0.000000e+00> : vector<1024x16xf32>
    %dot_general3A_547 = tpu.matmul %select_n3A_539, %mul3A_545, %dot_general3A_546 {dimension_numbers = #tpu.dot_dimension_numbers<[1], [0], [0], [1], [0, 0, 1, 1], [], []>, transpose_lhs_hint = false} : vector<1024x64xf32>, vector<64x16xf32>, vector<1024x16xf32> -> vector<1024x16xf32>
    %add3A_548 = arith.addf %add3A_518, %dot_general3A_547 : vector<1024x16xf32>
    %sub3A_549 = arith.constant 6.000000e+00 : f32
    %sub3A_550 = vector.broadcast %sub3A_549 : f32 to vector<1024x64xf32>
    %sub3A_551 = arith.subf %floor3A_319, %sub3A_550 : vector<1024x64xf32>
    %eq3A_552 = arith.constant 0.000000e+00 : f32
    %eq3A_553 = vector.broadcast %eq3A_552 : f32 to vector<1024x64xf32>
    %eq3A_554 = arith.cmpf oeq, %sub3A_551, %eq3A_553 : vector<1024x64xf32>
    %eq3A_555 = arith.constant 1.000000e+00 : f32
    %eq3A_556 = vector.broadcast %eq3A_555 : f32 to vector<1024x64xf32>
    %eq3A_557 = arith.cmpf oeq, %sub3A_551, %eq3A_556 : vector<1024x64xf32>
    %eq3A_558 = arith.constant 2.000000e+00 : f32
    %eq3A_559 = vector.broadcast %eq3A_558 : f32 to vector<1024x64xf32>
    %eq3A_560 = arith.cmpf oeq, %sub3A_551, %eq3A_559 : vector<1024x64xf32>
    %eq3A_561 = arith.constant 3.000000e+00 : f32
    %eq3A_562 = vector.broadcast %eq3A_561 : f32 to vector<1024x64xf32>
    %eq3A_563 = arith.cmpf oeq, %sub3A_551, %eq3A_562 : vector<1024x64xf32>
    %jit3A_564 = arith.constant 0.000000e+00 : f32
    %broadcast_in_dim3A_565 = vector.broadcast %jit3A_564 : f32 to vector<1024x64xf32>
    %select_n3A_566 = arith.select %eq3A_563, %mul3A_363, %broadcast_in_dim3A_565 : vector<1024x64xi1>, vector<1024x64xf32>
    %select_n3A_567 = arith.select %eq3A_560, %mul3A_358, %select_n3A_566 : vector<1024x64xi1>, vector<1024x64xf32>
    %select_n3A_568 = arith.select %eq3A_557, %mul3A_345, %select_n3A_567 : vector<1024x64xi1>, vector<1024x64xf32>
    %select_n3A_569 = arith.select %eq3A_554, %mul3A_328, %select_n3A_568 : vector<1024x64xi1>, vector<1024x64xf32>
    %get3A_570 = arith.constant 6 : index
    %get3A_571 = arith.constant 0 : index
    %get3A_572 = arith.constant 0 : index
    %get3A_573 = vector.load %arg6[%get3A_570, %get3A_571, %get3A_572] : memref<8x64x16xf32, #tpu.memory_space<vmem>>, vector<1x64x16xf32>
    %get3A_574 = vector.shape_cast %get3A_573 : vector<1x64x16xf32> to vector<64x16xf32>
    %mul3A_575 = arith.mulf %get3A_574, %get3A_366 : vector<64x16xf32>
    %dot_general3A_576 = arith.constant dense<0.000000e+00> : vector<1024x16xf32>
    %dot_general3A_577 = tpu.matmul %select_n3A_569, %mul3A_575, %dot_general3A_576 {dimension_numbers = #tpu.dot_dimension_numbers<[1], [0], [0], [1], [0, 0, 1, 1], [], []>, transpose_lhs_hint = false} : vector<1024x64xf32>, vector<64x16xf32>, vector<1024x16xf32> -> vector<1024x16xf32>
    %add3A_578 = arith.addf %add3A_548, %dot_general3A_577 : vector<1024x16xf32>
    %sub3A_579 = arith.constant 7.000000e+00 : f32
    %sub3A_580 = vector.broadcast %sub3A_579 : f32 to vector<1024x64xf32>
    %sub3A_581 = arith.subf %floor3A_319, %sub3A_580 : vector<1024x64xf32>
    %eq3A_582 = arith.constant 0.000000e+00 : f32
    %eq3A_583 = vector.broadcast %eq3A_582 : f32 to vector<1024x64xf32>
    %eq3A_584 = arith.cmpf oeq, %sub3A_581, %eq3A_583 : vector<1024x64xf32>
    %eq3A_585 = arith.constant 1.000000e+00 : f32
    %eq3A_586 = vector.broadcast %eq3A_585 : f32 to vector<1024x64xf32>
    %eq3A_587 = arith.cmpf oeq, %sub3A_581, %eq3A_586 : vector<1024x64xf32>
    %eq3A_588 = arith.constant 2.000000e+00 : f32
    %eq3A_589 = vector.broadcast %eq3A_588 : f32 to vector<1024x64xf32>
    %eq3A_590 = arith.cmpf oeq, %sub3A_581, %eq3A_589 : vector<1024x64xf32>
    %eq3A_591 = arith.constant 3.000000e+00 : f32
    %eq3A_592 = vector.broadcast %eq3A_591 : f32 to vector<1024x64xf32>
    %eq3A_593 = arith.cmpf oeq, %sub3A_581, %eq3A_592 : vector<1024x64xf32>
    %jit3A_594 = arith.constant 0.000000e+00 : f32
    %broadcast_in_dim3A_595 = vector.broadcast %jit3A_594 : f32 to vector<1024x64xf32>
    %select_n3A_596 = arith.select %eq3A_593, %mul3A_363, %broadcast_in_dim3A_595 : vector<1024x64xi1>, vector<1024x64xf32>
    %select_n3A_597 = arith.select %eq3A_590, %mul3A_358, %select_n3A_596 : vector<1024x64xi1>, vector<1024x64xf32>
    %select_n3A_598 = arith.select %eq3A_587, %mul3A_345, %select_n3A_597 : vector<1024x64xi1>, vector<1024x64xf32>
    %select_n3A_599 = arith.select %eq3A_584, %mul3A_328, %select_n3A_598 : vector<1024x64xi1>, vector<1024x64xf32>
    %get3A_600 = arith.constant 7 : index
    %get3A_601 = arith.constant 0 : index
    %get3A_602 = arith.constant 0 : index
    %get3A_603 = vector.load %arg6[%get3A_600, %get3A_601, %get3A_602] : memref<8x64x16xf32, #tpu.memory_space<vmem>>, vector<1x64x16xf32>
    %get3A_604 = vector.shape_cast %get3A_603 : vector<1x64x16xf32> to vector<64x16xf32>
    %mul3A_605 = arith.mulf %get3A_604, %get3A_366 : vector<64x16xf32>
    %dot_general3A_606 = arith.constant dense<0.000000e+00> : vector<1024x16xf32>
    %dot_general3A_607 = tpu.matmul %select_n3A_599, %mul3A_605, %dot_general3A_606 {dimension_numbers = #tpu.dot_dimension_numbers<[1], [0], [0], [1], [0, 0, 1, 1], [], []>, transpose_lhs_hint = false} : vector<1024x64xf32>, vector<64x16xf32>, vector<1024x16xf32> -> vector<1024x16xf32>
    %add3A_608 = arith.addf %add3A_578, %dot_general3A_607 : vector<1024x16xf32>
    %add3A_609 = arith.addf %dot_general3A_312, %add3A_608 : vector<1024x16xf32>
    %swap3A = arith.constant 0 : index
    %swap3A_610 = arith.constant 0 : index
    %swap3A_611 = vector.load %arg8[%swap3A, %swap3A_610] : memref<1024x16xf32, #tpu.memory_space<vmem>>, vector<1024x16xf32>
    tpu.vector_store %arg8[%swap3A, %swap3A_610], %add3A_609 {strides = array<i32>} : memref<1024x16xf32, #tpu.memory_space<vmem>>, vector<1024x16xf32>,
    return
  }
  func.func @transform_0(%arg0: i32) -> (i32, i32) {
    %c0_i32 = arith.constant 0 : i32
    %c0_i32_0 = arith.constant 0 : i32
    return %arg0, %c0_i32 : i32, i32
  }
  func.func @transform_1(%arg0: i32) -> (i32, i32) {
    %c0_i32 = arith.constant 0 : i32
    %c0_i32_0 = arith.constant 0 : i32
    %c0_i32_1 = arith.constant 0 : i32
    return %c0_i32, %c0_i32_0 : i32, i32
  }
  func.func @transform_2(%arg0: i32) -> (i32, i32, i32) {
    %c0_i32 = arith.constant 0 : i32
    %c0_i32_0 = arith.constant 0 : i32
    %c0_i32_1 = arith.constant 0 : i32
    %c0_i32_2 = arith.constant 0 : i32
    return %c0_i32, %c0_i32_0, %c0_i32_1 : i32, i32, i32
  }
  func.func @transform_3(%arg0: i32) -> (i32, i32) {
    %c0_i32 = arith.constant 0 : i32
    %c0_i32_0 = arith.constant 0 : i32
    %c0_i32_1 = arith.constant 0 : i32
    return %c0_i32, %c0_i32_0 : i32, i32
  }
  func.func @transform_4(%arg0: i32) -> (i32, i32) {
    %c0_i32 = arith.constant 0 : i32
    %c0_i32_0 = arith.constant 0 : i32
    %c0_i32_1 = arith.constant 0 : i32
    return %c0_i32, %c0_i32_0 : i32, i32
  }
  func.func @transform_5(%arg0: i32) -> (i32, i32, i32) {
    %c0_i32 = arith.constant 0 : i32
    %c0_i32_0 = arith.constant 0 : i32
    %c0_i32_1 = arith.constant 0 : i32
    %c0_i32_2 = arith.constant 0 : i32
    return %c0_i32, %c0_i32_0, %c0_i32_1 : i32, i32, i32
  }
  func.func @transform_6(%arg0: i32) -> (i32, i32) {
    %c0_i32 = arith.constant 0 : i32
    %c0_i32_0 = arith.constant 0 : i32
    %c0_i32_1 = arith.constant 0 : i32
    return %c0_i32, %c0_i32_0 : i32, i32
  }
  func.func @transform_7(%arg0: i32) -> (i32, i32) {
    %c0_i32 = arith.constant 0 : i32
    %c0_i32_0 = arith.constant 0 : i32
    return %arg0, %c0_i32 : i32, i32
  }
}

</mosaic_0001>

<sc_bundles>
// kernel: kernel.11.cloned.1.call-start
scs
__scs_entry_jumppad:
0x0: {  	(pc) =	sbr.rel $0x88, $3  }
0x1: {  	(tag) =	ssettag $0x0;
	lr =	simm.s32 $0x1  }
0x2: {  	[smem:$0x3F93] =	sst lr;
	_ =	strace $0xD0000000  }
0x3: {  	_ = 	snop  }
0x4: {  	_ = 	snop  }
0x5: {  	_ = 	snop  }
0x6: {  	_ = 	snop  }
0x7: {  	_ = 	snop  }
__scs_overlays_trampoline_lowered:
0x8: {  	[smem:$0x3FA2] =	sst s0  }
0x9: {  	[smem:$0x3FA3] =	sst s1  }
0xa: {  	[smem:$0x3FA4] =	sst s2  }
0xb: {  	[smem:$0x3FA5] =	sst s3  }
0xc: {  	[smem:$0x3FA6] =	sst s4  }
0xd: {  	[smem:$0x3FA7] =	sst s5  }
0xe: {  	[smem:$0x3FA8] =	sst s6  }
0xf: {  	[smem:$0x3FA9] =	sst s7  }
0x10: {  	[smem:$0x3FAA] =	sst s8  }
0x11: {  	[smem:$0x3FAB] =	sst s9;
	s0 =	simm.s32 @!p0 $0x0  }
0x12: {  	s1 =	sld [smem:$0x3F91];
	s0 =	simm.s32 @p0 $0x1  }
0x13: {  	[smem:$0x3FAC] =	sst s0;
	s0 =	simm.s32 @!p1 $0x0  }
0x14: {  	s2 =	sld [smem:$0x3F90];
	s0 =	simm.s32 @p1 $0x1  }
0x15: {  	[smem:$0x3FAD] =	sst s0;
	s0 =	simm.s32 @!p2 $0x0  }
0x16: {  	s3 =	sld [smem:$0x3FDB];
	s0 =	simm.s32 @p2 $0x1  }
0x17: {  	s4 =	simm.s32 $0x1BF5;
	[smem:$0x3FAF] =	sst s0  }
0x18: {  	s0 =	sld [smem:$0x3F92];
	_ =	swait.ge [sflag:s4], $0x0  }
0x19: {  	s7 =	sld [smem:$0x3F93]  }
0x1a: {  	s8 =	sadd.s32 $0xFFFFE003, lr  }
0x1b: {  	s9 =	sadd.s32 $0xFFFFFEF7, lr;
	s5 =	simm.s32 $0xFFFFFFFF;
	p2 =	slt.u32 s8, $0xFFFFF086  }
0x1c: {  	p1 =	slt.u32 s9, $0xF7A;
	s5 =	simm.s32 @!p2 $0x0  }
0x1d: {  	s5 =	simm.s32 @p1 $0x1;
	p0 =	seq.s32 s7, s2  }
0x1e: {  	s7 =	smul.u32 @!p0 $0xF7A, s2;
	p2 =	seq.s32 @!p0 s5, $0x0  }
0x1f: {  	s9 =	smul.u32 $0xF7A, s1;
	s8 =	simm.s32 @!p0 $0x1BF5;
	p2 =	por !p2, p0  }
0x20: {  	[sflag:s8] =	ssyncset.s32 @!p0 $0xFFFFF086;
	s6 =	sadd.s32 @!p0 s3, s7;
	s7 =	simm.s32 @!p0 $0x108  }
0x21: {  	s3 =	sadd.s32 s3, s9;
	s6 =	sadd.s32 @!p0 $0x88, s6;
	s7 =	simm.s32 @p2 $0x1082  }
0x22: {  	[simem:s7], [sflag:s8] =	dma.local @!p0 [hbm:s6], $0xF7A  }
0x23: {  	s9 =	sor.u32 $0xD0000000, s2;
	s6 =	simm.s32 $0x108;
	_ =	swait.ge @!p0 [sflag:s8], $0x0  }
0x24: {  	s3 =	sadd.s32 $0x88, s3;
	s6 =	simm.s32 @!p1 $0x1082;
	[sflag:s4] =	ssyncset.s32 $0xFFFFF086  }
0x25: {  	[simem:s6], [sflag:s4] =	dma.local [hbm:s3], $0xF7A  }
0x26: {  	[smem:$0x3F93] =	sst s1;
	(tag) =	ssettag s2;
	_ =	strace s9  }
0x27: {  	s1 =	sld [smem:$0x3FA3]  }
0x28: {  	s2 =	sld [smem:$0x3FA4]  }
0x29: {  	s4 =	sld [smem:$0x3FA6]  }
0x2a: {  	p0 =	seq.s32 s5, $0x0;
	s5 =	sld [smem:$0x3FA7]  }
0x2b: {  	s6 =	sld [smem:$0x3FA8]  }
0x2c: {  	s7 =	sld [smem:$0x3FA9]  }
0x2d: {  	s3 =	simm.s32 $0x108;
	s8 =	sld [smem:$0x3FAA]  }
0x2e: {  	s3 =	simm.s32 @!p0 $0x1082;
	s9 =	sld [smem:$0x3FAB]  }
0x2f: {  	lr =	sadd.s32 s0, s3;
	s0 =	sld [smem:$0x3FA2]  }
0x30: {  	s3 =	sld [smem:$0x3FA5]  }
0x31: {  	[smem:$0x3FAE] =	sst s10  }
0x32: {  	s10 =	sld [smem:$0x3FAC];
	_ =	sdelay $0x3  }
0x33: {  	p0 =	seq.s32 s10, $0x1;
	s10 =	sld [smem:$0x3FAE];
	_ =	sdelay $0x3  }
0x34: {  	[smem:$0x3FAE] =	sst s10  }
0x35: {  	s10 =	sld [smem:$0x3FAD];
	_ =	sdelay $0x3  }
0x36: {  	p1 =	seq.s32 s10, $0x1;
	s10 =	sld [smem:$0x3FAE];
	_ =	sdelay $0x3  }
0x37: {  	[smem:$0x3FAE] =	sst s10  }
0x38: {  	s10 =	sld [smem:$0x3FAF]  }
0x39: {  	_ = 	snop;
	(pc) =	sbr.ind lr, $3  }
0x3a: {  	_ = 	snop  }
0x3b: {  	_ = 	snop  }
0x3c: {  	p2 =	seq.s32 s10, $0x1;
	s10 =	sld [smem:$0x3FAE]  }
0x3d: {  	_ =	shalt  }
0x3e: {  	_ =	shalt  }
0x3f: {  	_ =	shalt  }
0x40: {  	_ =	shalt  }
0x41: {  	_ =	shalt  }
0x42: {  	_ =	shalt  }
0x43: {  	_ =	shalt  }
0x44: {  	_ =	shalt  }
0x45: {  	_ =	shalt  }
0x46: {  	_ =	shalt  }
0x47: {  	_ =	shalt  }
0x48: {  	_ =	shalt  }
0x49: {  	_ =	shalt  }
0x4a: {  	_ =	shalt  }
0x4b: {  	_ =	shalt  }
0x4c: {  	_ =	shalt  }
0x4d: {  	_ =	shalt  }
0x4e: {  	_ =	shalt  }
0x4f: {  	_ =	shalt  }
0x50: {  	_ =	shalt  }
0x51: {  	_ =	shalt  }
0x52: {  	_ =	shalt  }
0x53: {  	_ =	shalt  }
0x54: {  	_ =	shalt  }
0x55: {  	_ =	shalt  }
0x56: {  	_ =	shalt  }
0x57: {  	_ =	shalt  }
0x58: {  	_ =	shalt  }
0x59: {  	_ =	shalt  }
0x5a: {  	_ =	shalt  }
0x5b: {  	_ =	shalt  }
0x5c: {  	_ =	shalt  }
0x5d: {  	_ =	shalt  }
0x5e: {  	_ =	shalt  }
0x5f: {  	_ =	shalt  }
0x60: {  	_ =	shalt  }
0x61: {  	_ =	shalt  }
0x62: {  	_ =	shalt  }
0x63: {  	_ =	shalt  }
0x64: {  	_ =	shalt  }
0x65: {  	_ =	shalt  }
0x66: {  	_ =	shalt  }
0x67: {  	_ =	shalt  }
0x68: {  	_ =	shalt  }
0x69: {  	_ =	shalt  }
0x6a: {  	_ =	shalt  }
0x6b: {  	_ =	shalt  }
0x6c: {  	_ =	shalt  }
0x6d: {  	_ =	shalt  }
0x6e: {  	_ =	shalt  }
0x6f: {  	_ =	shalt  }
0x70: {  	_ =	shalt  }
0x71: {  	_ =	shalt  }
0x72: {  	_ =	shalt  }
0x73: {  	_ =	shalt  }
0x74: {  	_ =	shalt  }
0x75: {  	_ =	shalt  }
0x76: {  	_ =	shalt  }
0x77: {  	_ =	shalt  }
0x78: {  	_ =	shalt  }
0x79: {  	_ =	shalt  }
0x7a: {  	_ =	shalt  }
0x7b: {  	_ =	shalt  }
0x7c: {  	_ =	shalt  }
0x7d: {  	_ =	shalt  }
0x7e: {  	_ =	shalt  }
0x7f: {  	_ =	shalt  }
0x80: {  	_ =	shalt  }
0x81: {  	_ =	shalt  }
0x82: {  	_ =	shalt  }
0x83: {  	_ =	shalt  }
0x84: {  	_ =	shalt  }
0x85: {  	_ =	shalt  }
0x86: {  	_ =	shalt  }
0x87: {  	_ =	shalt  }
.Lfunc_end0:
.L_simem_size_0:
called_computation.1_lowered:
.L_overlay_start_0:
0x88: {  	s2 =	sld [smem:$0x3FD9]  }
0x89: {  	s3 =	sld [smem:$0x3FFE];
	_ =	sdelay $0x1  }
0x8a: {  	s1 =	srdreg.scid  }
0x8b: {  	s0 =	sand.u32 $0x1, s1  }
0x8c: {  	s17 =	sshll.u32 s0, $0xA;
	s2 =	sadd.s32 s3, s2  }
0x8d: {  	s2 =	sadd.s32 s2, s17  }
0x8e: {  	[smem:$0x3FBA] =	sst s2  }
0x8f: {  	_ = 	snop  }
0x90: {  	s2 =	sld [smem:$0x3FD0];
	(tm) =	ssettm $0x1  }
0x91: {  	s18 =	sld [smem:$0x3FFB];
	_ =	sdelay $0x3  }
0x92: {  	_ =	strace s18  }
0x93: {  	s3 =	sld [smem:$0x3FFC];
	_ =	sdelay $0x3  }
0x94: {  	_ =	strace s3  }
0x95: {  	s3 =	sld [smem:$0x3FFD];
	_ =	sdelay $0x3  }
0x96: {  	_ =	strace s3  }
0x97: {  	_ =	strace $0x8FFFFFFF  }
0x98: {  	s19 =	sld [smem:$0x3FDB];
	_ =	sdelay $0x1  }
0x99: {  	s4 =	simm.s32 $_scs_section_size  }
0x9a: {  	s5 =	simm.s32 $_size__tile_overlayer_lowered;
	s6 =	simm.s32 $_tile_overlayer_lowered  }
0x9b: {  	s22 =	simm.s32 $0x1BFF;
	s21 =	sshll.u32 s6, $0x1;
	s3 =	sadd.s32 s4, s19  }
0x9c: {  	s7 =	simm.s32 $0x0;
	s20 =	sshll.u32 s5, $0x1;
	s5 =	sadd.s32 s21, s3  }
0x9d: {  	[timem:s7], [sflag:s22] =	dma.local [hbm:s5], s20  }
0x9e: {  	_ =	swait.ge [sflag:s22], s20  }
0x9f: {  	s4 =	ssub.s32 $0x0, s20;
	[sflag:s22] =	ssyncset.done $0x0  }
0xa0: {  	[sflag:s22] =	ssyncadd.s32 s4;
	_ =	sdelay $0x1  }
0xa1: {  	s23 =	simm.s32 $0x1B8B  }
0xa2: {  	_ =	swait.ge [sflag:s23], $0x1  }
0xa3: {  	[sflag:s23] =	ssyncset.done $0x0  }
0xa4: {  	s25 =	simm.s32 $0x1B8E;
	s24 =	sld [smem:$0x3FFE];
	[sflag:s23] =	ssyncadd.s32 $0xFFFFFFFF  }
0xa5: {  	s26 =	simm.s32 $execute0_lowered;
	[smem:$0x3FD2] =	sst s25  }
0xa6: {  	s5 =	sshll.u32 s26, $0x1;
	_ =	strace $0x80000046;
	[dreg:$0x1] =	wrdreg $0xFFFFFFFF  }
0xa7: {  	s28 =	simm.s32 $_size_execute0_lowered;
	s3 =	sadd.s32 s3, s5;
	[dreg:$0x0] =	wrdreg $0x0  }
0xa8: {  	s5 =	sshll.u32 s28, $0x1;
	[dreg:$0x2] =	wrdreg s3  }
0xa9: {  	[dreg:$0x3] =	wrdreg s5  }
0xaa: {  	[dreg:$0x4] =	wrdreg $0xC0  }
0xab: {  	_ =	task [dreg:s7], $0x5FFFF  }
0xac: {  	[dreg:$0x1] =	wrdreg $0xFFFFFFFF  }
0xad: {  	[dreg:$0x0] =	wrdreg $0x60  }
0xae: {  	[dreg:$0x2] =	wrdreg s24  }
0xaf: {  	[dreg:$0x3] =	wrdreg s2  }
0xb0: {  	[dreg:$0x4] =	wrdreg $0x52000  }
0xb1: {  	[dreg:$0x5] =	wrdreg $0xA  }
0xb2: {  	_ =	task.clear_ibuf [dreg:s7], $0x6FFFF;
	_ =	strace $0x90000046  }
0xb3: {  	s29 =	simm.s32 $0xA;
	_ =	strace $0x80000048  }
0xb4: {  	_ =	swait.ge [sflag:s29], $0x1  }
0xb5: {  	[sflag:s29] =	ssyncadd.s32 $0xFFFFFFFF  }
0xb6: {  	_ =	strace $0x90000048  }
0xb7: {  	_ =	sfence  }
0xb8: {  	s30 =	sld [smem:$0x0];
	_ =	sdelay $0x2  }
0xb9: {  	s31 =	sshll.u32 s1, $0xD;
	s1 =	sshrl.u32 s1, $0x2  }
0xba: {  	s3 =	sand.u32 $0x4000, s31;
	s1 =	sadd.s32 s1, s30  }
0xbb: {  	s0 =	sor.u32 s3, s0;
	s1 =	sshll.u32 s1, $0x11  }
0xbc: {  	s0 =	sor.u32 s1, s0  }
0xbd: {  	s0 =	sadd.s32 $0x8F2B, s0  }
0xbe: {  	[sflag:s0] =	ssyncadd.remote.s32 $0x1  }
0xbf: {  	_ =	sfence.sel $0xFFFF  }
0xc0: {  	[dreg:$0x0] =	wrdreg $0xFFFFFFFF;
	(pc) =	sbr.abs _section_cstart, $3  }
0xc1: {  	[dreg:$0x1] =	wrdreg $0xFFFFFFFF  }
0xc2: {  	_ =	task.clear_ibuf [dreg:s7], $0x2FFFF;
	_ =	strace $0x9FFFFFFF  }
0xc3: {  	(tm) =	ssettm $0x7FFFFFFF  }
tec
execute0_lowered:
.L_overlay_start_1:
0x0: {  	(tag) =	ssettag $0x1  }
0x1: {  	s0 =	rddreg [dreg:$0x0]  }
0x2: {  	s2 =	rddreg [dreg:$0x2];
	s4 =	simm.s32 $0x0;
	s1 =	srdreg.scid  }
0x3: {  	s11 =	stileid.u32;
	s19 =	simm.s32 $0x5;
	s20 =	simm.s32 $0x80  }
0x4: {  	s28 =	simm.s32 $0x4;
	s29 =	simm.s32 $0x2A00;
	s30 =	simm.s32 $0x2  }
0x5: {  	s31 =	simm.s32 $0x0;
	[smem:$0x7FF] =	sst s4;
	s8 =	smul.u32 $0x14000, s11  }
0x6: {  	s1 =	sand.u32 $0x1, s1;
	s5 =	sadd.s32 $0x16A00, s0;
	s21 =	smul.u32 $0x50000, s11  }
0x7: {  	s6 =	sadd.s32 $0xCC00, s0;
	s7 =	sadd.s32 $0x2E00, s0;
	s23 =	smul.u32 $0x2710, s11  }
0x8: {  	s24 =	sshll.u32 s11, $0x6;
	s3 =	smul.u32 $0x140000, s1;
	_ =	strace $0x80000047  }
0x9: {  	s9 =	sshll.u32 s1, $0x4;
	s10 =	ssub.s32 $0x2, s1;
	s1 =	smul.u32 $0x27100, s1  }
0xa: {  	s9 =	sor.u32 s11, s9;
	s22 =	sshrl.u32 s10, $0x1;
	s3 =	sadd.s32 s8, s3  }
0xb: {  	s9 =	smul.u32 $0x2710, s9;
	s8 =	sshrl.u32 s21, $0x2;
	s1 =	sadd.s32 s23, s1  }
0xc: {  	s21 =	simm.s32 $0x100;
	s23 =	simm.s32 $0x3;
	s3 =	sshrl.u32 s3, $0x3  }
0xd: {  	s18 =	sadd.s32 s8, s2;
	s8 =	sor.u32 $0x1C05, s24;
	s13 =	sadd.s32 $0xF0, s1  }
0xe: {  	s17 =	sadd.s32 $0xA0, s1;
	s24 =	simm.s32 $0x50;
	s0 =	sadd.s32 s3, s0  }
0xf: {  	s3 =	ssub.s32 s10, s22;
	s25 =	sshrl.u32 s9, $0x3;
	s16 =	sshrl.u32 s13, $0x3  }
0x10: {  	s18 =	sshrl.u32 s18, $0x3;
	s22 =	simm.s32 $0x180;
	s9 =	sadd.s32 s6, s25  }
0x11: {  	s26 =	sadd.s32 s7, s25;
	s12 =	sadd.s32 $0xA, s25;
	s13 =	sadd.s32 $0x3EA00, s0  }
0x12: {  	s14 =	smax.u32 s3, $0x1;
	s15 =	sadd.s32 s16, s7;
	[dreg:$0x4] =	wrdreg s9  }
0x13: {  	s16 =	sadd.s32 s16, s6;
	s25 =	simm.s32 $0x200;
	[dreg:$0x5] =	wrdreg s26  }
0x14: {  	s11 =	sadd.s32 s6, s12;
	s12 =	sadd.s32 s7, s12;
	s26 =	simm.s32 $0x1  }
.LBB2_1:
0x15: {  	s0 =	rddreg [dreg:$0x1]  }
0x16: {  	[spmem:s18], [sflag:s8] =	dma.local [hbm:s0], $0x2800  }
0x17: {  	_ =	swait.ge [sflag:s19], $0x2800  }
0x18: {  	[sflag:s19] =	ssyncset.done $0x0  }
0x19: {  	[sflag:s19] =	ssyncadd.s32 $0xFFFFD800  }
0x1a: {  	[bflag:$0x0] =	sbarrier.arrive $0xFFFF  }
0x1b: {  	s1 =	rddreg [dreg:$0x4]  }
0x1c: {  	[tilespmem:s4], [sflag:$0x3] =	stream.linear.gather [hbm4b:s1+s4], $0x50, $0x38;
	[tilespmem:$0x19200] =	vst v63  }
0x1d: {  	s3 =	rddreg [dreg:$0x5]  }
0x1e: {  	[tilespmem:s20], [sflag:$0x3] =	stream.linear.gather [hbm4b:s3+s4], $0x50, $0x38;
	[tilespmem:$0x19200] =	vst v63  }
0x1f: {  	_ = 	snop  }
0x20: {  	[tilespmem:s21], [sflag:$0x4] =	stream.linear.gather [hbm4b:s11+s4], $0x50, $0x38;
	[tilespmem:$0x19200] =	vst v63  }
0x21: {  	_ = 	snop  }
0x22: {  	[tilespmem:s22], [sflag:$0x4] =	stream.linear.gather [hbm4b:s12+s4], $0x50, $0x38;
	[tilespmem:$0x19200] =	vst v63  }
0x23: {  	_ =	swait.ge [sflag:s23], $0x50  }
0x24: {  	[sflag:s23] =	ssyncset.done $0x0  }
0x25: {  	[sflag:s23] =	ssyncadd.s32 $0xFFFFFFB0  }
0x26: {  	_ =	swait.ge [sflag:s23], $0x50  }
0x27: {  	[sflag:s23] =	ssyncset.done $0x0  }
0x28: {  	[sflag:s23] =	ssyncadd.s32 $0xFFFFFFB0  }
0x29: {  	[tilespmem:s25], [sflag:$0x1] =	stream.indirect.gather [hbm4b:s5+s24], $0x80, s4, s24, $0xb8;
	[tilespmem:$0x19200] =	vst v63  }
0x2a: {  	_ =	swait.ge [sflag:s26], $0x2800  }
0x2b: {  	[sflag:s26] =	ssyncset.done $0x0  }
0x2c: {  	[sflag:s26] =	ssyncadd.s32 $0xFFFFD800  }
0x2d: {  	_ =	swait.ge [sflag:s28], $0x50  }
0x2e: {  	[sflag:s28] =	ssyncset.done $0x0  }
0x2f: {  	[sflag:s28] =	ssyncadd.s32 $0xFFFFFFB0  }
0x30: {  	_ =	swait.ge [sflag:s28], $0x50  }
0x31: {  	[sflag:s28] =	ssyncset.done $0x0  }
0x32: {  	[sflag:s28] =	ssyncadd.s32 $0xFFFFFFB0  }
0x33: {  	[tilespmem:s29], [sflag:$0x2] =	stream.indirect.gather [hbm4b:s5+s24], $0x80, s21, s24, $0xb8;
	[tilespmem:$0x19200] =	vst v63  }
0x34: {  	_ = 	snop  }
0x35: {  	[spmem:s2] =	stream.indirect.scatter.add.f32 [tilespmem:s25], [sflag:$0x5], $0x80, s20, s24, $0xb8;
	[tilespmem:$0x19200] =	vst v63  }
0x36: {  	_ =	swait.ge [sflag:s19], $0x2800  }
0x37: {  	s9 =	sshrl.u32 s17, $0x3;
	[sflag:s19] =	ssyncset.done $0x0  }
0x38: {  	s1 =	sadd.s32 s6, s9;
	[sflag:s19] =	ssyncadd.s32 $0xFFFFD800  }
0x39: {  	[tilespmem:s4], [sflag:$0x3] =	stream.linear.gather [hbm4b:s1+s4], $0x50, $0x38;
	[tilespmem:$0x19200] =	vst v63  }
0x3a: {  	s0 =	sadd.s32 s7, s9  }
0x3b: {  	[tilespmem:s20], [sflag:$0x3] =	stream.linear.gather [hbm4b:s0+s4], $0x50, $0x38;
	[tilespmem:$0x19200] =	vst v63  }
0x3c: {  	_ =	swait.ge [sflag:s30], $0x2800  }
0x3d: {  	[sflag:s30] =	ssyncset.done $0x0  }
0x3e: {  	[sflag:s30] =	ssyncadd.s32 $0xFFFFD800  }
0x3f: {  	_ =	swait.ge [sflag:s23], $0x50  }
0x40: {  	[sflag:s23] =	ssyncset.done $0x0  }
0x41: {  	[sflag:s23] =	ssyncadd.s32 $0xFFFFFFB0  }
0x42: {  	_ =	swait.ge [sflag:s23], $0x50  }
0x43: {  	[sflag:s23] =	ssyncset.done $0x0  }
0x44: {  	[sflag:s23] =	ssyncadd.s32 $0xFFFFFFB0  }
0x45: {  	[tilespmem:s25], [sflag:$0x1] =	stream.indirect.gather [hbm4b:s5+s24], $0x80, s4, s24, $0xb8;
	[tilespmem:$0x19200] =	vst v63  }
0x46: {  	_ = 	snop  }
0x47: {  	[spmem:s2] =	stream.indirect.scatter.add.f32 [tilespmem:s29], [sflag:$0x5], $0x80, s22, s24, $0xb8;
	[tilespmem:$0x19200] =	vst v63  }
0x48: {  	_ =	swait.ge [sflag:s19], $0x2800  }
0x49: {  	s10 =	sadd.s32 $0x0, s16;
	s3 =	sadd.s32 $0xA0, s17;
	[sflag:s19] =	ssyncset.done $0x0  }
0x4a: {  	s1 =	sadd.s32 $0x0, s15;
	s0 =	simm.s32 $0x14;
	[sflag:s19] =	ssyncadd.s32 $0xFFFFD800  }
0x4b: {  	[tilespmem:s21], [sflag:$0x4] =	stream.linear.gather [hbm4b:s10+s4], $0x50, $0x38;
	[tilespmem:$0x19200] =	vst v63  }
.LBB2_2:
0x4c: {  	[tilespmem:s22], [sflag:$0x4] =	stream.linear.gather [hbm4b:s1+s4], $0x50, $0x38;
	[tilespmem:$0x19200] =	vst v63  }
0x4d: {  	s1 =	smov.u32 s0  }
0x4e: {  	p0 =	sne.s32 s0, $0x4C4;
	s0 =	sadd.s32 $0x14, s0;
	_ =	swait.ge [sflag:s26], $0x2800  }
0x4f: {  	[sflag:s26] =	ssyncset.done $0x0  }
0x50: {  	[sflag:s26] =	ssyncadd.s32 $0xFFFFD800  }
0x51: {  	_ =	swait.ge [sflag:s28], $0x50  }
0x52: {  	[sflag:s28] =	ssyncset.done $0x0  }
0x53: {  	[sflag:s28] =	ssyncadd.s32 $0xFFFFFFB0  }
0x54: {  	_ =	swait.ge [sflag:s28], $0x50  }
0x55: {  	[sflag:s28] =	ssyncset.done $0x0  }
0x56: {  	[sflag:s28] =	ssyncadd.s32 $0xFFFFFFB0  }
0x57: {  	[tilespmem:s29], [sflag:$0x2] =	stream.indirect.gather [hbm4b:s5+s24], $0x80, s21, s24, $0xb8;
	[tilespmem:$0x19200] =	vst v63  }
0x58: {  	_ = 	snop  }
0x59: {  	[spmem:s2] =	stream.indirect.scatter.add.f32 [tilespmem:s25], [sflag:$0x5], $0x80, s20, s24, $0xb8;
	[tilespmem:$0x19200] =	vst v63  }
0x5a: {  	_ =	swait.ge [sflag:s19], $0x2800  }
0x5b: {  	s9 =	sshrl.u32 s3, $0x3;
	[sflag:s19] =	ssyncset.done $0x0  }
0x5c: {  	s10 =	sadd.s32 s6, s9;
	[sflag:s19] =	ssyncadd.s32 $0xFFFFD800  }
0x5d: {  	[tilespmem:s4], [sflag:$0x3] =	stream.linear.gather [hbm4b:s10+s4], $0x50, $0x38;
	[tilespmem:$0x19200] =	vst v63  }
0x5e: {  	s9 =	sadd.s32 s7, s9  }
0x5f: {  	[tilespmem:s20], [sflag:$0x3] =	stream.linear.gather [hbm4b:s9+s4], $0x50, $0x38;
	[tilespmem:$0x19200] =	vst v63  }
0x60: {  	_ =	swait.ge [sflag:s30], $0x2800  }
0x61: {  	[sflag:s30] =	ssyncset.done $0x0  }
0x62: {  	[sflag:s30] =	ssyncadd.s32 $0xFFFFD800  }
0x63: {  	_ =	swait.ge [sflag:s23], $0x50  }
0x64: {  	[sflag:s23] =	ssyncset.done $0x0  }
0x65: {  	[sflag:s23] =	ssyncadd.s32 $0xFFFFFFB0  }
0x66: {  	_ =	swait.ge [sflag:s23], $0x50  }
0x67: {  	[sflag:s23] =	ssyncset.done $0x0  }
0x68: {  	[sflag:s23] =	ssyncadd.s32 $0xFFFFFFB0  }
0x69: {  	[tilespmem:s25], [sflag:$0x1] =	stream.indirect.gather [hbm4b:s5+s24], $0x80, s4, s24, $0xb8;
	[tilespmem:$0x19200] =	vst v63  }
0x6a: {  	_ = 	snop  }
0x6b: {  	[spmem:s2] =	stream.indirect.scatter.add.f32 [tilespmem:s29], [sflag:$0x5], $0x80, s22, s24, $0xb8;
	[tilespmem:$0x19200] =	vst v63  }
.Ltmp0:
0x6c: {  	_ =	swait.ge [sflag:s19], $0x2800;
	(pc) =	sbr.rel @p0 .LBB2_2-.Ltmp0, $4  }
0x6d: {  	[sflag:s19] =	ssyncset.done $0x0  }
0x6e: {  	s9 =	sadd.s32 s1, s16;
	[sflag:s19] =	ssyncadd.s32 $0xFFFFD800  }
0x6f: {  	[tilespmem:s21], [sflag:$0x4] =	stream.linear.gather [hbm4b:s9+s4], $0x50, $0x38;
	[tilespmem:$0x19200] =	vst v63  }
0x70: {  	s3 =	sadd.s32 $0xA0, s3;
	s1 =	sadd.s32 s1, s15  }
0x71: {  	[tilespmem:s22], [sflag:$0x4] =	stream.linear.gather [hbm4b:s1+s4], $0x50, $0x38;
	[tilespmem:$0x19200] =	vst v63  }
0x72: {  	_ =	swait.ge [sflag:s26], $0x2800  }
0x73: {  	[sflag:s26] =	ssyncset.done $0x0  }
0x74: {  	[sflag:s26] =	ssyncadd.s32 $0xFFFFD800  }
0x75: {  	[spmem:s2] =	stream.indirect.scatter.add.f32 [tilespmem:s25], [sflag:$0x5], $0x80, s20, s24, $0xb8;
	[tilespmem:$0x19200] =	vst v63  }
0x76: {  	_ =	swait.ge [sflag:s19], $0x2800  }
0x77: {  	[sflag:s19] =	ssyncset.done $0x0  }
0x78: {  	[sflag:s19] =	ssyncadd.s32 $0xFFFFD800  }
0x79: {  	_ =	swait.ge [sflag:s28], $0x50  }
0x7a: {  	[sflag:s28] =	ssyncset.done $0x0  }
0x7b: {  	[sflag:s28] =	ssyncadd.s32 $0xFFFFFFB0  }
0x7c: {  	_ =	swait.ge [sflag:s28], $0x50  }
0x7d: {  	s31 =	sadd.s32 $0x1, s31;
	[sflag:s28] =	ssyncset.done $0x0  }
0x7e: {  	p0 =	sne.s32 s31, s14;
	[sflag:s28] =	ssyncadd.s32 $0xFFFFFFB0  }
.Ltmp1:
0x7f: {  	[bflag:$0x0] =	sbarrier.arrive $0xFFFF;
	(pc) =	sbr.rel @p0 .LBB2_1-.Ltmp1, $4  }
0x80: {  	[hbm:s13], [sflag:s8] =	dma.local [spmem:s18], $0x2800  }
0x81: {  	_ =	swait.ge [sflag:s19], $0x2800  }
0x82: {  	[sflag:s19] =	ssyncset.done $0x0  }
0x83: {  	[sflag:s19] =	ssyncadd.s32 $0xFFFFD800  }
0x84: {  	_ =	sfence.sel $0x180000  }
0x85: {  	[bflag:$0x0] =	sbarrier.arrive $0xFFFF  }
0x86: {  	_ =	strace $0x90000047  }
0x87: {  	s0 =	stileid.u32;
	[bflag:$0x2] =	sbarrier.arrive $0xFFFF  }
0x88: {  	p0 =	sne.s32 s0, $0x0;
	s0 =	rddreg [dreg:$0x3]  }
0x89: {  	s0 =	sadd.s32 @!p0 $0x100000, s0  }
0x8a: {  	[sflag:s0] =	ssyncadd.tile.s32 @!p0 $0x1;
	_ =	shalt  }
.Lfunc_end2:
_tile_overlayer_lowered:
.L_overlay_start_2:
0x8b: {  	(tag) =	ssettag $0x2  }
0x8c: {  	s0 =	rddreg [dreg:$0x0];
	s2 =	stileid.u32  }
0x8d: {  	s1 =	rddreg [dreg:$0x1];
	p0 =	sne.s32 s2, $0x0  }
0x8e: {  	s3 =	rddreg [dreg:$0x2];
	[bflag:$0x3] =	sbarrier.arrive $0xFFFF;
	s2 =	simm.s32 @!p0 $0x1C05  }
0x8f: {  	[timem:s3], [sflag:s2] =	dma.local @!p0 [hbm:s0], s1  }
0x90: {  	s0 =	simm.s32 @!p0 $0x5  }
0x91: {  	_ =	swait.ge @!p0 [sflag:s0], s1  }
0x92: {  	s1 =	ssub.s32 @!p0 $0x0, s1;
	[sflag:s0] =	ssyncset.done @!p0 $0x0  }
0x93: {  	[sflag:s0] =	ssyncadd.s32 @!p0 s1  }
0x94: {  	[bflag:$0x3] =	sbarrier.arrive $0xFFFF  }
0x95: {  	_ =	shalt  }

// kernel: kernel.14.cloned.1.call-start
scs
__scs_entry_jumppad:
0x0: {  	(pc) =	sbr.rel $0x88, $3  }
0x1: {  	(tag) =	ssettag $0x0;
	lr =	simm.s32 $0x1  }
0x2: {  	[smem:$0x3F93] =	sst lr;
	_ =	strace $0xD0000000  }
0x3: {  	_ = 	snop  }
0x4: {  	_ = 	snop  }
0x5: {  	_ = 	snop  }
0x6: {  	_ = 	snop  }
0x7: {  	_ = 	snop  }
__scs_overlays_trampoline_lowered:
0x8: {  	[smem:$0x3FA2] =	sst s0  }
0x9: {  	[smem:$0x3FA3] =	sst s1  }
0xa: {  	[smem:$0x3FA4] =	sst s2  }
0xb: {  	[smem:$0x3FA5] =	sst s3  }
0xc: {  	[smem:$0x3FA6] =	sst s4  }
0xd: {  	[smem:$0x3FA7] =	sst s5  }
0xe: {  	[smem:$0x3FA8] =	sst s6  }
0xf: {  	[smem:$0x3FA9] =	sst s7  }
0x10: {  	[smem:$0x3FAA] =	sst s8  }
0x11: {  	[smem:$0x3FAB] =	sst s9;
	s0 =	simm.s32 @!p0 $0x0  }
0x12: {  	s1 =	sld [smem:$0x3F91];
	s0 =	simm.s32 @p0 $0x1  }
0x13: {  	[smem:$0x3FAC] =	sst s0;
	s0 =	simm.s32 @!p1 $0x0  }
0x14: {  	s2 =	sld [smem:$0x3F90];
	s0 =	simm.s32 @p1 $0x1  }
0x15: {  	[smem:$0x3FAD] =	sst s0;
	s0 =	simm.s32 @!p2 $0x0  }
0x16: {  	s3 =	sld [smem:$0x3FDB];
	s0 =	simm.s32 @p2 $0x1  }
0x17: {  	s4 =	simm.s32 $0x1BF5;
	[smem:$0x3FAF] =	sst s0  }
0x18: {  	s0 =	sld [smem:$0x3F92];
	_ =	swait.ge [sflag:s4], $0x0  }
0x19: {  	s7 =	sld [smem:$0x3F93]  }
0x1a: {  	s8 =	sadd.s32 $0xFFFFE003, lr  }
0x1b: {  	s9 =	sadd.s32 $0xFFFFFEF7, lr;
	s5 =	simm.s32 $0xFFFFFFFF;
	p2 =	slt.u32 s8, $0xFFFFF086  }
0x1c: {  	p1 =	slt.u32 s9, $0xF7A;
	s5 =	simm.s32 @!p2 $0x0  }
0x1d: {  	s5 =	simm.s32 @p1 $0x1;
	p0 =	seq.s32 s7, s2  }
0x1e: {  	s7 =	smul.u32 @!p0 $0xF7A, s2;
	p2 =	seq.s32 @!p0 s5, $0x0  }
0x1f: {  	s9 =	smul.u32 $0xF7A, s1;
	s8 =	simm.s32 @!p0 $0x1BF5;
	p2 =	por !p2, p0  }
0x20: {  	[sflag:s8] =	ssyncset.s32 @!p0 $0xFFFFF086;
	s6 =	sadd.s32 @!p0 s3, s7;
	s7 =	simm.s32 @!p0 $0x108  }
0x21: {  	s3 =	sadd.s32 s3, s9;
	s6 =	sadd.s32 @!p0 $0x88, s6;
	s7 =	simm.s32 @p2 $0x1082  }
0x22: {  	[simem:s7], [sflag:s8] =	dma.local @!p0 [hbm:s6], $0xF7A  }
0x23: {  	s9 =	sor.u32 $0xD0000000, s2;
	s6 =	simm.s32 $0x108;
	_ =	swait.ge @!p0 [sflag:s8], $0x0  }
0x24: {  	s3 =	sadd.s32 $0x88, s3;
	s6 =	simm.s32 @!p1 $0x1082;
	[sflag:s4] =	ssyncset.s32 $0xFFFFF086  }
0x25: {  	[simem:s6], [sflag:s4] =	dma.local [hbm:s3], $0xF7A  }
0x26: {  	[smem:$0x3F93] =	sst s1;
	(tag) =	ssettag s2;
	_ =	strace s9  }
0x27: {  	s1 =	sld [smem:$0x3FA3]  }
0x28: {  	s2 =	sld [smem:$0x3FA4]  }
0x29: {  	s4 =	sld [smem:$0x3FA6]  }
0x2a: {  	p0 =	seq.s32 s5, $0x0;
	s5 =	sld [smem:$0x3FA7]  }
0x2b: {  	s6 =	sld [smem:$0x3FA8]  }
0x2c: {  	s7 =	sld [smem:$0x3FA9]  }
0x2d: {  	s3 =	simm.s32 $0x108;
	s8 =	sld [smem:$0x3FAA]  }
0x2e: {  	s3 =	simm.s32 @!p0 $0x1082;
	s9 =	sld [smem:$0x3FAB]  }
0x2f: {  	lr =	sadd.s32 s0, s3;
	s0 =	sld [smem:$0x3FA2]  }
0x30: {  	s3 =	sld [smem:$0x3FA5]  }
0x31: {  	[smem:$0x3FAE] =	sst s10  }
0x32: {  	s10 =	sld [smem:$0x3FAC];
	_ =	sdelay $0x3  }
0x33: {  	p0 =	seq.s32 s10, $0x1;
	s10 =	sld [smem:$0x3FAE];
	_ =	sdelay $0x3  }
0x34: {  	[smem:$0x3FAE] =	sst s10  }
0x35: {  	s10 =	sld [smem:$0x3FAD];
	_ =	sdelay $0x3  }
0x36: {  	p1 =	seq.s32 s10, $0x1;
	s10 =	sld [smem:$0x3FAE];
	_ =	sdelay $0x3  }
0x37: {  	[smem:$0x3FAE] =	sst s10  }
0x38: {  	s10 =	sld [smem:$0x3FAF]  }
0x39: {  	_ = 	snop;
	(pc) =	sbr.ind lr, $3  }
0x3a: {  	_ = 	snop  }
0x3b: {  	_ = 	snop  }
0x3c: {  	p2 =	seq.s32 s10, $0x1;
	s10 =	sld [smem:$0x3FAE]  }
0x3d: {  	_ =	shalt  }
0x3e: {  	_ =	shalt  }
0x3f: {  	_ =	shalt  }
0x40: {  	_ =	shalt  }
0x41: {  	_ =	shalt  }
0x42: {  	_ =	shalt  }
0x43: {  	_ =	shalt  }
0x44: {  	_ =	shalt  }
0x45: {  	_ =	shalt  }
0x46: {  	_ =	shalt  }
0x47: {  	_ =	shalt  }
0x48: {  	_ =	shalt  }
0x49: {  	_ =	shalt  }
0x4a: {  	_ =	shalt  }
0x4b: {  	_ =	shalt  }
0x4c: {  	_ =	shalt  }
0x4d: {  	_ =	shalt  }
0x4e: {  	_ =	shalt  }
0x4f: {  	_ =	shalt  }
0x50: {  	_ =	shalt  }
0x51: {  	_ =	shalt  }
0x52: {  	_ =	shalt  }
0x53: {  	_ =	shalt  }
0x54: {  	_ =	shalt  }
0x55: {  	_ =	shalt  }
0x56: {  	_ =	shalt  }
0x57: {  	_ =	shalt  }
0x58: {  	_ =	shalt  }
0x59: {  	_ =	shalt  }
0x5a: {  	_ =	shalt  }
0x5b: {  	_ =	shalt  }
0x5c: {  	_ =	shalt  }
0x5d: {  	_ =	shalt  }
0x5e: {  	_ =	shalt  }
0x5f: {  	_ =	shalt  }
0x60: {  	_ =	shalt  }
0x61: {  	_ =	shalt  }
0x62: {  	_ =	shalt  }
0x63: {  	_ =	shalt  }
0x64: {  	_ =	shalt  }
0x65: {  	_ =	shalt  }
0x66: {  	_ =	shalt  }
0x67: {  	_ =	shalt  }
0x68: {  	_ =	shalt  }
0x69: {  	_ =	shalt  }
0x6a: {  	_ =	shalt  }
0x6b: {  	_ =	shalt  }
0x6c: {  	_ =	shalt  }
0x6d: {  	_ =	shalt  }
0x6e: {  	_ =	shalt  }
0x6f: {  	_ =	shalt  }
0x70: {  	_ =	shalt  }
0x71: {  	_ =	shalt  }
0x72: {  	_ =	shalt  }
0x73: {  	_ =	shalt  }
0x74: {  	_ =	shalt  }
0x75: {  	_ =	shalt  }
0x76: {  	_ =	shalt  }
0x77: {  	_ =	shalt  }
0x78: {  	_ =	shalt  }
0x79: {  	_ =	shalt  }
0x7a: {  	_ =	shalt  }
0x7b: {  	_ =	shalt  }
0x7c: {  	_ =	shalt  }
0x7d: {  	_ =	shalt  }
0x7e: {  	_ =	shalt  }
0x7f: {  	_ =	shalt  }
0x80: {  	_ =	shalt  }
0x81: {  	_ =	shalt  }
0x82: {  	_ =	shalt  }
0x83: {  	_ =	shalt  }
0x84: {  	_ =	shalt  }
0x85: {  	_ =	shalt  }
0x86: {  	_ =	shalt  }
0x87: {  	_ =	shalt  }
.Lfunc_end0:
.L_simem_size_0:
called_computation.2_lowered:
.L_overlay_start_0:
0x88: {  	s2 =	sld [smem:$0x3FD9]  }
0x89: {  	s3 =	sld [smem:$0x3FFE];
	_ =	sdelay $0x1  }
0x8a: {  	s1 =	srdreg.scid  }
0x8b: {  	s0 =	sand.u32 $0x1, s1  }
0x8c: {  	s17 =	sshll.u32 s0, $0xA;
	s2 =	sadd.s32 s3, s2  }
0x8d: {  	s2 =	sadd.s32 s2, s17  }
0x8e: {  	[smem:$0x3FBA] =	sst s2  }
0x8f: {  	_ = 	snop  }
0x90: {  	s2 =	sld [smem:$0x3FD0];
	(tm) =	ssettm $0x1  }
0x91: {  	s18 =	sld [smem:$0x3FFB];
	_ =	sdelay $0x3  }
0x92: {  	_ =	strace s18  }
0x93: {  	s3 =	sld [smem:$0x3FFC];
	_ =	sdelay $0x3  }
0x94: {  	_ =	strace s3  }
0x95: {  	s3 =	sld [smem:$0x3FFD];
	_ =	sdelay $0x3  }
0x96: {  	_ =	strace s3  }
0x97: {  	_ =	strace $0x8FFFFFFF  }
0x98: {  	s19 =	sld [smem:$0x3FDB];
	_ =	sdelay $0x1  }
0x99: {  	s4 =	simm.s32 $_scs_section_size  }
0x9a: {  	s5 =	simm.s32 $_size__tile_overlayer_lowered;
	s6 =	simm.s32 $_tile_overlayer_lowered  }
0x9b: {  	s22 =	simm.s32 $0x1BFF;
	s21 =	sshll.u32 s6, $0x1;
	s3 =	sadd.s32 s4, s19  }
0x9c: {  	s7 =	simm.s32 $0x0;
	s20 =	sshll.u32 s5, $0x1;
	s5 =	sadd.s32 s21, s3  }
0x9d: {  	[timem:s7], [sflag:s22] =	dma.local [hbm:s5], s20  }
0x9e: {  	_ =	swait.ge [sflag:s22], s20  }
0x9f: {  	s4 =	ssub.s32 $0x0, s20;
	[sflag:s22] =	ssyncset.done $0x0  }
0xa0: {  	[sflag:s22] =	ssyncadd.s32 s4;
	_ =	sdelay $0x1  }
0xa1: {  	s23 =	simm.s32 $0x1B8B  }
0xa2: {  	_ =	swait.ge [sflag:s23], $0x1  }
0xa3: {  	[sflag:s23] =	ssyncset.done $0x0  }
0xa4: {  	s25 =	simm.s32 $0x1B8E;
	s24 =	sld [smem:$0x3FFE];
	[sflag:s23] =	ssyncadd.s32 $0xFFFFFFFF  }
0xa5: {  	s26 =	simm.s32 $execute0_lowered;
	[smem:$0x3FD2] =	sst s25  }
0xa6: {  	s5 =	sshll.u32 s26, $0x1;
	_ =	strace $0x8000004C;
	[dreg:$0x1] =	wrdreg $0xFFFFFFFF  }
0xa7: {  	s28 =	simm.s32 $_size_execute0_lowered;
	s3 =	sadd.s32 s3, s5;
	[dreg:$0x0] =	wrdreg $0x0  }
0xa8: {  	s5 =	sshll.u32 s28, $0x1;
	[dreg:$0x2] =	wrdreg s3  }
0xa9: {  	[dreg:$0x3] =	wrdreg s5  }
0xaa: {  	[dreg:$0x4] =	wrdreg $0xC0  }
0xab: {  	_ =	task [dreg:s7], $0x5FFFF  }
0xac: {  	[dreg:$0x1] =	wrdreg $0xFFFFFFFF  }
0xad: {  	[dreg:$0x0] =	wrdreg $0x60  }
0xae: {  	[dreg:$0x2] =	wrdreg s24  }
0xaf: {  	[dreg:$0x3] =	wrdreg s2  }
0xb0: {  	[dreg:$0x4] =	wrdreg $0x52000  }
0xb1: {  	[dreg:$0x5] =	wrdreg $0x9  }
0xb2: {  	_ =	task.clear_ibuf [dreg:s7], $0x6FFFF;
	_ =	strace $0x9000004C  }
0xb3: {  	s29 =	simm.s32 $0x9;
	_ =	strace $0x8000004E  }
0xb4: {  	_ =	swait.ge [sflag:s29], $0x1  }
0xb5: {  	[sflag:s29] =	ssyncadd.s32 $0xFFFFFFFF  }
0xb6: {  	_ =	strace $0x9000004E  }
0xb7: {  	_ =	sfence  }
0xb8: {  	s30 =	sld [smem:$0x0];
	_ =	sdelay $0x2  }
0xb9: {  	s31 =	sshll.u32 s1, $0xD;
	s1 =	sshrl.u32 s1, $0x2  }
0xba: {  	s3 =	sand.u32 $0x4000, s31;
	s1 =	sadd.s32 s1, s30  }
0xbb: {  	s0 =	sor.u32 s3, s0;
	s1 =	sshll.u32 s1, $0x11  }
0xbc: {  	s0 =	sor.u32 s1, s0  }
0xbd: {  	s0 =	sadd.s32 $0x8F2B, s0  }
0xbe: {  	[sflag:s0] =	ssyncadd.remote.s32 $0x1  }
0xbf: {  	_ =	sfence.sel $0xFFFF  }
0xc0: {  	[dreg:$0x0] =	wrdreg $0xFFFFFFFF;
	(pc) =	sbr.abs _section_cstart, $3  }
0xc1: {  	[dreg:$0x1] =	wrdreg $0xFFFFFFFF  }
0xc2: {  	_ =	task.clear_ibuf [dreg:s7], $0x2FFFF;
	_ =	strace $0x9FFFFFFF  }
0xc3: {  	(tm) =	ssettm $0x7FFFFFFF  }
tec
execute0_lowered:
.L_overlay_start_1:
0x0: {  	(tag) =	ssettag $0x1  }
0x1: {  	s0 =	rddreg [dreg:$0x0]  }
0x2: {  	s2 =	rddreg [dreg:$0x2];
	s4 =	simm.s32 $0x0;
	s1 =	srdreg.scid  }
0x3: {  	s11 =	stileid.u32;
	s19 =	simm.s32 $0x5;
	s20 =	simm.s32 $0x80  }
0x4: {  	s28 =	simm.s32 $0x4;
	s29 =	simm.s32 $0x2A00;
	s30 =	simm.s32 $0x2  }
0x5: {  	s31 =	simm.s32 $0x0;
	[smem:$0x7FF] =	sst s4;
	s8 =	smul.u32 $0x14000, s11  }
0x6: {  	s1 =	sand.u32 $0x1, s1;
	s5 =	sadd.s32 $0x16A00, s0;
	s21 =	smul.u32 $0x50000, s11  }
0x7: {  	s6 =	sadd.s32 $0xCC00, s0;
	s7 =	sadd.s32 $0x2E00, s0;
	s23 =	smul.u32 $0x2710, s11  }
0x8: {  	s24 =	sshll.u32 s11, $0x6;
	s3 =	smul.u32 $0x140000, s1;
	_ =	strace $0x8000004D  }
0x9: {  	s9 =	sshll.u32 s1, $0x4;
	s10 =	ssub.s32 $0x2, s1;
	s1 =	smul.u32 $0x27100, s1  }
0xa: {  	s9 =	sor.u32 s11, s9;
	s22 =	sshrl.u32 s10, $0x1;
	s3 =	sadd.s32 s8, s3  }
0xb: {  	s9 =	smul.u32 $0x2710, s9;
	s8 =	sshrl.u32 s21, $0x2;
	s1 =	sadd.s32 s23, s1  }
0xc: {  	s21 =	simm.s32 $0x100;
	s23 =	simm.s32 $0x3;
	s3 =	sshrl.u32 s3, $0x3  }
0xd: {  	s18 =	sadd.s32 s8, s2;
	s8 =	sor.u32 $0x1C05, s24;
	s13 =	sadd.s32 $0xF0, s1  }
0xe: {  	s17 =	sadd.s32 $0xA0, s1;
	s24 =	simm.s32 $0x50;
	s0 =	sadd.s32 s3, s0  }
0xf: {  	s3 =	ssub.s32 s10, s22;
	s25 =	sshrl.u32 s9, $0x3;
	s16 =	sshrl.u32 s13, $0x3  }
0x10: {  	s18 =	sshrl.u32 s18, $0x3;
	s22 =	simm.s32 $0x180;
	s9 =	sadd.s32 s6, s25  }
0x11: {  	s26 =	sadd.s32 s7, s25;
	s12 =	sadd.s32 $0xA, s25;
	s13 =	sadd.s32 $0x3EA00, s0  }
0x12: {  	s14 =	smax.u32 s3, $0x1;
	s15 =	sadd.s32 s16, s7;
	[dreg:$0x4] =	wrdreg s9  }
0x13: {  	s16 =	sadd.s32 s16, s6;
	s25 =	simm.s32 $0x200;
	[dreg:$0x5] =	wrdreg s26  }
0x14: {  	s11 =	sadd.s32 s6, s12;
	s12 =	sadd.s32 s7, s12;
	s26 =	simm.s32 $0x1  }
.LBB2_1:
0x15: {  	s0 =	rddreg [dreg:$0x1]  }
0x16: {  	[spmem:s18], [sflag:s8] =	dma.local [hbm:s0], $0x2800  }
0x17: {  	_ =	swait.ge [sflag:s19], $0x2800  }
0x18: {  	[sflag:s19] =	ssyncset.done $0x0  }
0x19: {  	[sflag:s19] =	ssyncadd.s32 $0xFFFFD800  }
0x1a: {  	[bflag:$0x0] =	sbarrier.arrive $0xFFFF  }
0x1b: {  	s1 =	rddreg [dreg:$0x4]  }
0x1c: {  	[tilespmem:s4], [sflag:$0x3] =	stream.linear.gather [hbm4b:s1+s4], $0x50, $0x38;
	[tilespmem:$0x19200] =	vst v63  }
0x1d: {  	s3 =	rddreg [dreg:$0x5]  }
0x1e: {  	[tilespmem:s20], [sflag:$0x3] =	stream.linear.gather [hbm4b:s3+s4], $0x50, $0x38;
	[tilespmem:$0x19200] =	vst v63  }
0x1f: {  	_ = 	snop  }
0x20: {  	[tilespmem:s21], [sflag:$0x4] =	stream.linear.gather [hbm4b:s11+s4], $0x50, $0x38;
	[tilespmem:$0x19200] =	vst v63  }
0x21: {  	_ = 	snop  }
0x22: {  	[tilespmem:s22], [sflag:$0x4] =	stream.linear.gather [hbm4b:s12+s4], $0x50, $0x38;
	[tilespmem:$0x19200] =	vst v63  }
0x23: {  	_ =	swait.ge [sflag:s23], $0x50  }
0x24: {  	[sflag:s23] =	ssyncset.done $0x0  }
0x25: {  	[sflag:s23] =	ssyncadd.s32 $0xFFFFFFB0  }
0x26: {  	_ =	swait.ge [sflag:s23], $0x50  }
0x27: {  	[sflag:s23] =	ssyncset.done $0x0  }
0x28: {  	[sflag:s23] =	ssyncadd.s32 $0xFFFFFFB0  }
0x29: {  	[tilespmem:s25], [sflag:$0x1] =	stream.indirect.gather [hbm4b:s5+s24], $0x80, s4, s24, $0xb8;
	[tilespmem:$0x19200] =	vst v63  }
0x2a: {  	_ =	swait.ge [sflag:s26], $0x2800  }
0x2b: {  	[sflag:s26] =	ssyncset.done $0x0  }
0x2c: {  	[sflag:s26] =	ssyncadd.s32 $0xFFFFD800  }
0x2d: {  	_ =	swait.ge [sflag:s28], $0x50  }
0x2e: {  	[sflag:s28] =	ssyncset.done $0x0  }
0x2f: {  	[sflag:s28] =	ssyncadd.s32 $0xFFFFFFB0  }
0x30: {  	_ =	swait.ge [sflag:s28], $0x50  }
0x31: {  	[sflag:s28] =	ssyncset.done $0x0  }
0x32: {  	[sflag:s28] =	ssyncadd.s32 $0xFFFFFFB0  }
0x33: {  	[tilespmem:s29], [sflag:$0x2] =	stream.indirect.gather [hbm4b:s5+s24], $0x80, s21, s24, $0xb8;
	[tilespmem:$0x19200] =	vst v63  }
0x34: {  	_ = 	snop  }
0x35: {  	[spmem:s2] =	stream.indirect.scatter.add.f32 [tilespmem:s25], [sflag:$0x5], $0x80, s20, s24, $0xb8;
	[tilespmem:$0x19200] =	vst v63  }
0x36: {  	_ =	swait.ge [sflag:s19], $0x2800  }
0x37: {  	s9 =	sshrl.u32 s17, $0x3;
	[sflag:s19] =	ssyncset.done $0x0  }
0x38: {  	s1 =	sadd.s32 s6, s9;
	[sflag:s19] =	ssyncadd.s32 $0xFFFFD800  }
0x39: {  	[tilespmem:s4], [sflag:$0x3] =	stream.linear.gather [hbm4b:s1+s4], $0x50, $0x38;
	[tilespmem:$0x19200] =	vst v63  }
0x3a: {  	s0 =	sadd.s32 s7, s9  }
0x3b: {  	[tilespmem:s20], [sflag:$0x3] =	stream.linear.gather [hbm4b:s0+s4], $0x50, $0x38;
	[tilespmem:$0x19200] =	vst v63  }
0x3c: {  	_ =	swait.ge [sflag:s30], $0x2800  }
0x3d: {  	[sflag:s30] =	ssyncset.done $0x0  }
0x3e: {  	[sflag:s30] =	ssyncadd.s32 $0xFFFFD800  }
0x3f: {  	_ =	swait.ge [sflag:s23], $0x50  }
0x40: {  	[sflag:s23] =	ssyncset.done $0x0  }
0x41: {  	[sflag:s23] =	ssyncadd.s32 $0xFFFFFFB0  }
0x42: {  	_ =	swait.ge [sflag:s23], $0x50  }
0x43: {  	[sflag:s23] =	ssyncset.done $0x0  }
0x44: {  	[sflag:s23] =	ssyncadd.s32 $0xFFFFFFB0  }
0x45: {  	[tilespmem:s25], [sflag:$0x1] =	stream.indirect.gather [hbm4b:s5+s24], $0x80, s4, s24, $0xb8;
	[tilespmem:$0x19200] =	vst v63  }
0x46: {  	_ = 	snop  }
0x47: {  	[spmem:s2] =	stream.indirect.scatter.add.f32 [tilespmem:s29], [sflag:$0x5], $0x80, s22, s24, $0xb8;
	[tilespmem:$0x19200] =	vst v63  }
0x48: {  	_ =	swait.ge [sflag:s19], $0x2800  }
0x49: {  	s10 =	sadd.s32 $0x0, s16;
	s3 =	sadd.s32 $0xA0, s17;
	[sflag:s19] =	ssyncset.done $0x0  }
0x4a: {  	s1 =	sadd.s32 $0x0, s15;
	s0 =	simm.s32 $0x14;
	[sflag:s19] =	ssyncadd.s32 $0xFFFFD800  }
0x4b: {  	[tilespmem:s21], [sflag:$0x4] =	stream.linear.gather [hbm4b:s10+s4], $0x50, $0x38;
	[tilespmem:$0x19200] =	vst v63  }
.LBB2_2:
0x4c: {  	[tilespmem:s22], [sflag:$0x4] =	stream.linear.gather [hbm4b:s1+s4], $0x50, $0x38;
	[tilespmem:$0x19200] =	vst v63  }
0x4d: {  	s1 =	smov.u32 s0  }
0x4e: {  	p0 =	sne.s32 s0, $0x4C4;
	s0 =	sadd.s32 $0x14, s0;
	_ =	swait.ge [sflag:s26], $0x2800  }
0x4f: {  	[sflag:s26] =	ssyncset.done $0x0  }
0x50: {  	[sflag:s26] =	ssyncadd.s32 $0xFFFFD800  }
0x51: {  	_ =	swait.ge [sflag:s28], $0x50  }
0x52: {  	[sflag:s28] =	ssyncset.done $0x0  }
0x53: {  	[sflag:s28] =	ssyncadd.s32 $0xFFFFFFB0  }
0x54: {  	_ =	swait.ge [sflag:s28], $0x50  }
0x55: {  	[sflag:s28] =	ssyncset.done $0x0  }
0x56: {  	[sflag:s28] =	ssyncadd.s32 $0xFFFFFFB0  }
0x57: {  	[tilespmem:s29], [sflag:$0x2] =	stream.indirect.gather [hbm4b:s5+s24], $0x80, s21, s24, $0xb8;
	[tilespmem:$0x19200] =	vst v63  }
0x58: {  	_ = 	snop  }
0x59: {  	[spmem:s2] =	stream.indirect.scatter.add.f32 [tilespmem:s25], [sflag:$0x5], $0x80, s20, s24, $0xb8;
	[tilespmem:$0x19200] =	vst v63  }
0x5a: {  	_ =	swait.ge [sflag:s19], $0x2800  }
0x5b: {  	s9 =	sshrl.u32 s3, $0x3;
	[sflag:s19] =	ssyncset.done $0x0  }
0x5c: {  	s10 =	sadd.s32 s6, s9;
	[sflag:s19] =	ssyncadd.s32 $0xFFFFD800  }
0x5d: {  	[tilespmem:s4], [sflag:$0x3] =	stream.linear.gather [hbm4b:s10+s4], $0x50, $0x38;
	[tilespmem:$0x19200] =	vst v63  }
0x5e: {  	s9 =	sadd.s32 s7, s9  }
0x5f: {  	[tilespmem:s20], [sflag:$0x3] =	stream.linear.gather [hbm4b:s9+s4], $0x50, $0x38;
	[tilespmem:$0x19200] =	vst v63  }
0x60: {  	_ =	swait.ge [sflag:s30], $0x2800  }
0x61: {  	[sflag:s30] =	ssyncset.done $0x0  }
0x62: {  	[sflag:s30] =	ssyncadd.s32 $0xFFFFD800  }
0x63: {  	_ =	swait.ge [sflag:s23], $0x50  }
0x64: {  	[sflag:s23] =	ssyncset.done $0x0  }
0x65: {  	[sflag:s23] =	ssyncadd.s32 $0xFFFFFFB0  }
0x66: {  	_ =	swait.ge [sflag:s23], $0x50  }
0x67: {  	[sflag:s23] =	ssyncset.done $0x0  }
0x68: {  	[sflag:s23] =	ssyncadd.s32 $0xFFFFFFB0  }
0x69: {  	[tilespmem:s25], [sflag:$0x1] =	stream.indirect.gather [hbm4b:s5+s24], $0x80, s4, s24, $0xb8;
	[tilespmem:$0x19200] =	vst v63  }
0x6a: {  	_ = 	snop  }
0x6b: {  	[spmem:s2] =	stream.indirect.scatter.add.f32 [tilespmem:s29], [sflag:$0x5], $0x80, s22, s24, $0xb8;
	[tilespmem:$0x19200] =	vst v63  }
.Ltmp0:
0x6c: {  	_ =	swait.ge [sflag:s19], $0x2800;
	(pc) =	sbr.rel @p0 .LBB2_2-.Ltmp0, $4  }
0x6d: {  	[sflag:s19] =	ssyncset.done $0x0  }
0x6e: {  	s9 =	sadd.s32 s1, s16;
	[sflag:s19] =	ssyncadd.s32 $0xFFFFD800  }
0x6f: {  	[tilespmem:s21], [sflag:$0x4] =	stream.linear.gather [hbm4b:s9+s4], $0x50, $0x38;
	[tilespmem:$0x19200] =	vst v63  }
0x70: {  	s3 =	sadd.s32 $0xA0, s3;
	s1 =	sadd.s32 s1, s15  }
0x71: {  	[tilespmem:s22], [sflag:$0x4] =	stream.linear.gather [hbm4b:s1+s4], $0x50, $0x38;
	[tilespmem:$0x19200] =	vst v63  }
0x72: {  	_ =	swait.ge [sflag:s26], $0x2800  }
0x73: {  	[sflag:s26] =	ssyncset.done $0x0  }
0x74: {  	[sflag:s26] =	ssyncadd.s32 $0xFFFFD800  }
0x75: {  	[spmem:s2] =	stream.indirect.scatter.add.f32 [tilespmem:s25], [sflag:$0x5], $0x80, s20, s24, $0xb8;
	[tilespmem:$0x19200] =	vst v63  }
0x76: {  	_ =	swait.ge [sflag:s19], $0x2800  }
0x77: {  	[sflag:s19] =	ssyncset.done $0x0  }
0x78: {  	[sflag:s19] =	ssyncadd.s32 $0xFFFFD800  }
0x79: {  	_ =	swait.ge [sflag:s28], $0x50  }
0x7a: {  	[sflag:s28] =	ssyncset.done $0x0  }
0x7b: {  	[sflag:s28] =	ssyncadd.s32 $0xFFFFFFB0  }
0x7c: {  	_ =	swait.ge [sflag:s28], $0x50  }
0x7d: {  	s31 =	sadd.s32 $0x1, s31;
	[sflag:s28] =	ssyncset.done $0x0  }
0x7e: {  	p0 =	sne.s32 s31, s14;
	[sflag:s28] =	ssyncadd.s32 $0xFFFFFFB0  }
.Ltmp1:
0x7f: {  	[bflag:$0x0] =	sbarrier.arrive $0xFFFF;
	(pc) =	sbr.rel @p0 .LBB2_1-.Ltmp1, $4  }
0x80: {  	[hbm:s13], [sflag:s8] =	dma.local [spmem:s18], $0x2800  }
0x81: {  	_ =	swait.ge [sflag:s19], $0x2800  }
0x82: {  	[sflag:s19] =	ssyncset.done $0x0  }
0x83: {  	[sflag:s19] =	ssyncadd.s32 $0xFFFFD800  }
0x84: {  	_ =	sfence.sel $0x180000  }
0x85: {  	[bflag:$0x0] =	sbarrier.arrive $0xFFFF  }
0x86: {  	_ =	strace $0x9000004D  }
0x87: {  	s0 =	stileid.u32;
	[bflag:$0x2] =	sbarrier.arrive $0xFFFF  }
0x88: {  	p0 =	sne.s32 s0, $0x0;
	s0 =	rddreg [dreg:$0x3]  }
0x89: {  	s0 =	sadd.s32 @!p0 $0x100000, s0  }
0x8a: {  	[sflag:s0] =	ssyncadd.tile.s32 @!p0 $0x1;
	_ =	shalt  }
.Lfunc_end2:
_tile_overlayer_lowered:
.L_overlay_start_2:
0x8b: {  	(tag) =	ssettag $0x2  }
0x8c: {  	s0 =	rddreg [dreg:$0x0];
	s2 =	stileid.u32  }
0x8d: {  	s1 =	rddreg [dreg:$0x1];
	p0 =	sne.s32 s2, $0x0  }
0x8e: {  	s3 =	rddreg [dreg:$0x2];
	[bflag:$0x3] =	sbarrier.arrive $0xFFFF;
	s2 =	simm.s32 @!p0 $0x1C05  }
0x8f: {  	[timem:s3], [sflag:s2] =	dma.local @!p0 [hbm:s0], s1  }
0x90: {  	s0 =	simm.s32 @!p0 $0x5  }
0x91: {  	_ =	swait.ge @!p0 [sflag:s0], s1  }
0x92: {  	s1 =	ssub.s32 @!p0 $0x0, s1;
	[sflag:s0] =	ssyncset.done @!p0 $0x0  }
0x93: {  	[sflag:s0] =	ssyncadd.s32 @!p0 s1  }
0x94: {  	[bflag:$0x3] =	sbarrier.arrive $0xFFFF  }
0x95: {  	_ =	shalt  }

// kernel: kernel.8.cloned.1.call-start
scs
__scs_entry_jumppad:
0x0: {  	(pc) =	sbr.rel $0x88, $3  }
0x1: {  	(tag) =	ssettag $0x0;
	lr =	simm.s32 $0x1  }
0x2: {  	[smem:$0x3F93] =	sst lr;
	_ =	strace $0xD0000000  }
0x3: {  	_ = 	snop  }
0x4: {  	_ = 	snop  }
0x5: {  	_ = 	snop  }
0x6: {  	_ = 	snop  }
0x7: {  	_ = 	snop  }
__scs_overlays_trampoline_lowered:
0x8: {  	[smem:$0x3FA2] =	sst s0  }
0x9: {  	[smem:$0x3FA3] =	sst s1  }
0xa: {  	[smem:$0x3FA4] =	sst s2  }
0xb: {  	[smem:$0x3FA5] =	sst s3  }
0xc: {  	[smem:$0x3FA6] =	sst s4  }
0xd: {  	[smem:$0x3FA7] =	sst s5  }
0xe: {  	[smem:$0x3FA8] =	sst s6  }
0xf: {  	[smem:$0x3FA9] =	sst s7  }
0x10: {  	[smem:$0x3FAA] =	sst s8  }
0x11: {  	[smem:$0x3FAB] =	sst s9;
	s0 =	simm.s32 @!p0 $0x0  }
0x12: {  	s1 =	sld [smem:$0x3F91];
	s0 =	simm.s32 @p0 $0x1  }
0x13: {  	[smem:$0x3FAC] =	sst s0;
	s0 =	simm.s32 @!p1 $0x0  }
0x14: {  	s2 =	sld [smem:$0x3F90];
	s0 =	simm.s32 @p1 $0x1  }
0x15: {  	[smem:$0x3FAD] =	sst s0;
	s0 =	simm.s32 @!p2 $0x0  }
0x16: {  	s3 =	sld [smem:$0x3FDB];
	s0 =	simm.s32 @p2 $0x1  }
0x17: {  	s4 =	simm.s32 $0x1BF5;
	[smem:$0x3FAF] =	sst s0  }
0x18: {  	s0 =	sld [smem:$0x3F92];
	_ =	swait.ge [sflag:s4], $0x0  }
0x19: {  	s7 =	sld [smem:$0x3F93]  }
0x1a: {  	s8 =	sadd.s32 $0xFFFFE003, lr  }
0x1b: {  	s9 =	sadd.s32 $0xFFFFFEF7, lr;
	s5 =	simm.s32 $0xFFFFFFFF;
	p2 =	slt.u32 s8, $0xFFFFF086  }
0x1c: {  	p1 =	slt.u32 s9, $0xF7A;
	s5 =	simm.s32 @!p2 $0x0  }
0x1d: {  	s5 =	simm.s32 @p1 $0x1;
	p0 =	seq.s32 s7, s2  }
0x1e: {  	s7 =	smul.u32 @!p0 $0xF7A, s2;
	p2 =	seq.s32 @!p0 s5, $0x0  }
0x1f: {  	s9 =	smul.u32 $0xF7A, s1;
	s8 =	simm.s32 @!p0 $0x1BF5;
	p2 =	por !p2, p0  }
0x20: {  	[sflag:s8] =	ssyncset.s32 @!p0 $0xFFFFF086;
	s6 =	sadd.s32 @!p0 s3, s7;
	s7 =	simm.s32 @!p0 $0x108  }
0x21: {  	s3 =	sadd.s32 s3, s9;
	s6 =	sadd.s32 @!p0 $0x88, s6;
	s7 =	simm.s32 @p2 $0x1082  }
0x22: {  	[simem:s7], [sflag:s8] =	dma.local @!p0 [hbm:s6], $0xF7A  }
0x23: {  	s9 =	sor.u32 $0xD0000000, s2;
	s6 =	simm.s32 $0x108;
	_ =	swait.ge @!p0 [sflag:s8], $0x0  }
0x24: {  	s3 =	sadd.s32 $0x88, s3;
	s6 =	simm.s32 @!p1 $0x1082;
	[sflag:s4] =	ssyncset.s32 $0xFFFFF086  }
0x25: {  	[simem:s6], [sflag:s4] =	dma.local [hbm:s3], $0xF7A  }
0x26: {  	[smem:$0x3F93] =	sst s1;
	(tag) =	ssettag s2;
	_ =	strace s9  }
0x27: {  	s1 =	sld [smem:$0x3FA3]  }
0x28: {  	s2 =	sld [smem:$0x3FA4]  }
0x29: {  	s4 =	sld [smem:$0x3FA6]  }
0x2a: {  	p0 =	seq.s32 s5, $0x0;
	s5 =	sld [smem:$0x3FA7]  }
0x2b: {  	s6 =	sld [smem:$0x3FA8]  }
0x2c: {  	s7 =	sld [smem:$0x3FA9]  }
0x2d: {  	s3 =	simm.s32 $0x108;
	s8 =	sld [smem:$0x3FAA]  }
0x2e: {  	s3 =	simm.s32 @!p0 $0x1082;
	s9 =	sld [smem:$0x3FAB]  }
0x2f: {  	lr =	sadd.s32 s0, s3;
	s0 =	sld [smem:$0x3FA2]  }
0x30: {  	s3 =	sld [smem:$0x3FA5]  }
0x31: {  	[smem:$0x3FAE] =	sst s10  }
0x32: {  	s10 =	sld [smem:$0x3FAC];
	_ =	sdelay $0x3  }
0x33: {  	p0 =	seq.s32 s10, $0x1;
	s10 =	sld [smem:$0x3FAE];
	_ =	sdelay $0x3  }
0x34: {  	[smem:$0x3FAE] =	sst s10  }
0x35: {  	s10 =	sld [smem:$0x3FAD];
	_ =	sdelay $0x3  }
0x36: {  	p1 =	seq.s32 s10, $0x1;
	s10 =	sld [smem:$0x3FAE];
	_ =	sdelay $0x3  }
0x37: {  	[smem:$0x3FAE] =	sst s10  }
0x38: {  	s10 =	sld [smem:$0x3FAF]  }
0x39: {  	_ = 	snop;
	(pc) =	sbr.ind lr, $3  }
0x3a: {  	_ = 	snop  }
0x3b: {  	_ = 	snop  }
0x3c: {  	p2 =	seq.s32 s10, $0x1;
	s10 =	sld [smem:$0x3FAE]  }
0x3d: {  	_ =	shalt  }
0x3e: {  	_ =	shalt  }
0x3f: {  	_ =	shalt  }
0x40: {  	_ =	shalt  }
0x41: {  	_ =	shalt  }
0x42: {  	_ =	shalt  }
0x43: {  	_ =	shalt  }
0x44: {  	_ =	shalt  }
0x45: {  	_ =	shalt  }
0x46: {  	_ =	shalt  }
0x47: {  	_ =	shalt  }
0x48: {  	_ =	shalt  }
0x49: {  	_ =	shalt  }
0x4a: {  	_ =	shalt  }
0x4b: {  	_ =	shalt  }
0x4c: {  	_ =	shalt  }
0x4d: {  	_ =	shalt  }
0x4e: {  	_ =	shalt  }
0x4f: {  	_ =	shalt  }
0x50: {  	_ =	shalt  }
0x51: {  	_ =	shalt  }
0x52: {  	_ =	shalt  }
0x53: {  	_ =	shalt  }
0x54: {  	_ =	shalt  }
0x55: {  	_ =	shalt  }
0x56: {  	_ =	shalt  }
0x57: {  	_ =	shalt  }
0x58: {  	_ =	shalt  }
0x59: {  	_ =	shalt  }
0x5a: {  	_ =	shalt  }
0x5b: {  	_ =	shalt  }
0x5c: {  	_ =	shalt  }
0x5d: {  	_ =	shalt  }
0x5e: {  	_ =	shalt  }
0x5f: {  	_ =	shalt  }
0x60: {  	_ =	shalt  }
0x61: {  	_ =	shalt  }
0x62: {  	_ =	shalt  }
0x63: {  	_ =	shalt  }
0x64: {  	_ =	shalt  }
0x65: {  	_ =	shalt  }
0x66: {  	_ =	shalt  }
0x67: {  	_ =	shalt  }
0x68: {  	_ =	shalt  }
0x69: {  	_ =	shalt  }
0x6a: {  	_ =	shalt  }
0x6b: {  	_ =	shalt  }
0x6c: {  	_ =	shalt  }
0x6d: {  	_ =	shalt  }
0x6e: {  	_ =	shalt  }
0x6f: {  	_ =	shalt  }
0x70: {  	_ =	shalt  }
0x71: {  	_ =	shalt  }
0x72: {  	_ =	shalt  }
0x73: {  	_ =	shalt  }
0x74: {  	_ =	shalt  }
0x75: {  	_ =	shalt  }
0x76: {  	_ =	shalt  }
0x77: {  	_ =	shalt  }
0x78: {  	_ =	shalt  }
0x79: {  	_ =	shalt  }
0x7a: {  	_ =	shalt  }
0x7b: {  	_ =	shalt  }
0x7c: {  	_ =	shalt  }
0x7d: {  	_ =	shalt  }
0x7e: {  	_ =	shalt  }
0x7f: {  	_ =	shalt  }
0x80: {  	_ =	shalt  }
0x81: {  	_ =	shalt  }
0x82: {  	_ =	shalt  }
0x83: {  	_ =	shalt  }
0x84: {  	_ =	shalt  }
0x85: {  	_ =	shalt  }
0x86: {  	_ =	shalt  }
0x87: {  	_ =	shalt  }
.Lfunc_end0:
.L_simem_size_0:
called_computation_lowered:
.L_overlay_start_0:
0x88: {  	s2 =	sld [smem:$0x3FD9]  }
0x89: {  	s3 =	sld [smem:$0x3FFE];
	_ =	sdelay $0x1  }
0x8a: {  	s1 =	srdreg.scid  }
0x8b: {  	s0 =	sand.u32 $0x1, s1  }
0x8c: {  	s17 =	sshll.u32 s0, $0xA;
	s2 =	sadd.s32 s3, s2  }
0x8d: {  	s2 =	sadd.s32 s2, s17  }
0x8e: {  	[smem:$0x3FBA] =	sst s2  }
0x8f: {  	_ = 	snop  }
0x90: {  	s18 =	sld [smem:$0x3FD0];
	(tm) =	ssettm $0x1  }
0x91: {  	s19 =	sld [smem:$0x3FFB];
	_ =	sdelay $0x3  }
0x92: {  	_ =	strace s19  }
0x93: {  	s2 =	sld [smem:$0x3FFC];
	_ =	sdelay $0x3  }
0x94: {  	_ =	strace s2  }
0x95: {  	s2 =	sld [smem:$0x3FFD];
	_ =	sdelay $0x3  }
0x96: {  	_ =	strace s2  }
0x97: {  	_ =	strace $0x8FFFFFFF  }
0x98: {  	s20 =	sld [smem:$0x3FDB];
	_ =	sdelay $0x1  }
0x99: {  	s4 =	simm.s32 $_scs_section_size  }
0x9a: {  	s5 =	simm.s32 $_size__tile_overlayer_lowered;
	s6 =	simm.s32 $_tile_overlayer_lowered  }
0x9b: {  	s7 =	simm.s32 $0x1BFF;
	s21 =	sshll.u32 s6, $0x1;
	s4 =	sadd.s32 s4, s20  }
0x9c: {  	s22 =	simm.s32 $0x0;
	s5 =	sshll.u32 s5, $0x1;
	s6 =	sadd.s32 s21, s4  }
0x9d: {  	[timem:s22], [sflag:s7] =	dma.local [hbm:s6], s5  }
0x9e: {  	_ =	swait.ge [sflag:s7], s5  }
0x9f: {  	s5 =	ssub.s32 $0x0, s5;
	[sflag:s7] =	ssyncset.done $0x0  }
0xa0: {  	[sflag:s7] =	ssyncadd.s32 s5;
	_ =	sdelay $0x1  }
0xa1: {  	s23 =	simm.s32 $0x1B8B  }
0xa2: {  	_ =	swait.ge [sflag:s23], $0x1  }
0xa3: {  	[sflag:s23] =	ssyncset.done $0x0  }
0xa4: {  	[sflag:s23] =	ssyncadd.s32 $0xFFFFFFFF  }
0xa5: {  	s5 =	sld [smem:$0x0]  }
0xa6: {  	s6 =	sand.u32 $0xFFFFFFFE, s1  }
0xa7: {  	p0 =	sne.s32 s1, s6  }
0xa8: {  	s6 =	sshll.u32 @p0 s6, $0xE  }
0xa9: {  	s6 =	sadd.s32 @p0 $0x11B8D, s6;
	s7 =	sshll.u32 @p0 s5, $0x11  }
0xaa: {  	s6 =	sor.u32 @p0 s7, s6  }
0xab: {  	[sflag:s6] =	ssyncadd.remote.s32 @p0 $0x1;
	_ =	sdelay $0x1  }
0xac: {  	s6 =	simm.s32 @p0 $0x1B8D  }
0xad: {  	_ =	swait.eq @p0 [sflag:s6], $0x1  }
0xae: {  	[sflag:s6] =	ssyncadd.s32 @p0 $0xFFFFFFFF  }
0xaf: {  	s7 =	sshll.u32 @!p0 s1, $0xE  }
0xb0: {  	s7 =	sor.u32 @!p0 $0x4000, s7;
	s6 =	simm.s32 @!p0 $0x1B8D  }
0xb1: {  	s5 =	sshll.u32 @!p0 s5, $0x11;
	s7 =	sadd.s32 @!p0 $0x11B8D, s7;
	_ =	swait.eq @!p0 [sflag:s6], $0x1  }
0xb2: {  	s5 =	sor.u32 @!p0 s5, s7;
	[sflag:s6] =	ssyncadd.s32 @!p0 $0xFFFFFFFF  }
0xb3: {  	s25 =	simm.s32 $0x1B8E;
	s24 =	sld [smem:$0x3FFE];
	[sflag:s5] =	ssyncadd.remote.s32 @!p0 $0x1  }
0xb4: {  	s26 =	simm.s32 $execute0_lowered;
	[smem:$0x3FD2] =	sst s25  }
0xb5: {  	s6 =	sshll.u32 s26, $0x1;
	_ =	strace $0x80000049;
	[dreg:$0x1] =	wrdreg $0xFFFFFFFF  }
0xb6: {  	s28 =	simm.s32 $_size_execute0_lowered;
	s4 =	sadd.s32 s4, s6;
	[dreg:$0x0] =	wrdreg $0x0  }
0xb7: {  	s6 =	sshll.u32 s28, $0x1;
	[dreg:$0x2] =	wrdreg s4  }
0xb8: {  	[dreg:$0x3] =	wrdreg s6  }
0xb9: {  	[dreg:$0x4] =	wrdreg $0xC0  }
0xba: {  	_ =	task [dreg:s22], $0x5FFFF  }
0xbb: {  	[dreg:$0x1] =	wrdreg $0xFFFFFFFF  }
0xbc: {  	[dreg:$0x0] =	wrdreg $0x60  }
0xbd: {  	[dreg:$0x2] =	wrdreg s24  }
0xbe: {  	[dreg:$0x3] =	wrdreg s18  }
0xbf: {  	[dreg:$0x4] =	wrdreg $0x68000  }
0xc0: {  	[dreg:$0x5] =	wrdreg $0x9  }
0xc1: {  	_ =	task.clear_ibuf [dreg:s22], $0x6FFFF;
	_ =	strace $0x90000049  }
0xc2: {  	s29 =	simm.s32 $0x9;
	_ =	strace $0x8000004B  }
0xc3: {  	_ =	swait.ge [sflag:s29], $0x1  }
0xc4: {  	[sflag:s29] =	ssyncadd.s32 $0xFFFFFFFF  }
0xc5: {  	_ =	strace $0x9000004B  }
0xc6: {  	_ =	sfence  }
0xc7: {  	s30 =	sld [smem:$0x0];
	_ =	sdelay $0x2  }
0xc8: {  	s31 =	sshll.u32 s1, $0xD;
	s1 =	sshrl.u32 s1, $0x2  }
0xc9: {  	s4 =	sand.u32 $0x4000, s31;
	s1 =	sadd.s32 s1, s30  }
0xca: {  	s0 =	sor.u32 s4, s0;
	s1 =	sshll.u32 s1, $0x11  }
0xcb: {  	s0 =	sor.u32 s1, s0  }
0xcc: {  	s0 =	sadd.s32 $0x8F2B, s0  }
0xcd: {  	[sflag:s0] =	ssyncadd.remote.s32 $0x1  }
0xce: {  	_ =	sfence.sel $0xFFFF  }
0xcf: {  	[dreg:$0x0] =	wrdreg $0xFFFFFFFF;
	(pc) =	sbr.abs _section_cstart, $3  }
0xd0: {  	[dreg:$0x1] =	wrdreg $0xFFFFFFFF  }
0xd1: {  	_ =	task.clear_ibuf [dreg:s22], $0x2FFFF;
	_ =	strace $0x9FFFFFFF  }
0xd2: {  	(tm) =	ssettm $0x7FFFFFFF  }
0xd3: {  	_ =	shalt  }
tec
execute0_lowered:
.L_overlay_start_1:
0x0: {  	(tag) =	ssettag $0x1  }
0x1: {  	s6 =	rddreg [dreg:$0x0]  }
0x2: {  	s1 =	rddreg [dreg:$0x1]  }
0x3: {  	s3 =	rddreg [dreg:$0x2];
	s2 =	srdreg.scid  }
0x4: {  	s0 =	rddreg [dreg:$0x3];
	s4 =	simm.s32 $0x0;
	s13 =	simm.s32 $0x80  }
0x5: {  	s14 =	simm.s32 $0x1;
	s7 =	sand.u32 $0x1, s2;
	s2 =	stileid.u32  }
0x6: {  	s15 =	simm.s32 $0x0;
	[smem:$0x7FF] =	sst s4;
	s8 =	smul.u32 $0x140000, s7  }
0x7: {  	s5 =	sshll.u32 s7, $0x4;
	s9 =	smul.u32 $0x14000, s2;
	_ =	strace $0x8000004A  }
0x8: {  	s10 =	smul.u32 $0x50000, s2;
	s31 =	ssub.s32 $0x2, s7;
	s5 =	sor.u32 s2, s5  }
0x9: {  	s11 =	sshll.u32 s2, $0x6;
	s7 =	sshrl.u32 s31, $0x1;
	s5 =	smul.u32 $0x500, s5  }
0xa: {  	s8 =	sadd.s32 s9, s8;
	s10 =	sshrl.u32 s10, $0x2;
	s12 =	ssub.s32 s31, s7  }
0xb: {  	s8 =	sshrl.u32 s8, $0x3;
	s10 =	sadd.s32 s10, s3;
	s9 =	smax.u32 s12, $0x1  }
0xc: {  	s12 =	simm.s32 $0x2800;
	s30 =	sadd.s32 s5, s6;
	s5 =	sadd.s32 $0x98A00, s6  }
0xd: {  	s8 =	sadd.s32 s8, s6;
	s6 =	sor.u32 $0x1C02, s11;
	s10 =	sshrl.u32 s10, $0x3  }
0xe: {  	s11 =	simm.s32 $0x2;
	s7 =	sadd.s32 $0x8EA00, s30;
	s8 =	sadd.s32 $0x99200, s8  }
.LBB2_1:
0xf: {  	[spmem:s10], [sflag:s6] =	dma.local [hbm:s1], $0x2800  }
0x10: {  	_ =	swait.ge [sflag:s11], $0x2800  }
0x11: {  	[sflag:s11] =	ssyncset.done $0x0  }
0x12: {  	[sflag:s11] =	ssyncadd.s32 $0xFFFFD800  }
0x13: {  	[tilespmem:s12], [sflag:$0x2] =	stream.linear.gather [hbm4b:s5+s4], $0x4000, $0x38;
	[tilespmem:$0x1A800] =	vst v63  }
0x14: {  	_ =	swait.ge [sflag:s11], $0x4000  }
0x15: {  	[sflag:s11] =	ssyncset.done $0x0  }
0x16: {  	[sflag:s11] =	ssyncadd.s32 $0xFFFFC000  }
0x17: {  	[tilespmem:s4], [sflag:$0x2] =	stream.linear.gather [hbm4b:s7+s4], $0x2800, $0x38;
	[tilespmem:$0x1A800] =	vst v63  }
0x18: {  	_ =	swait.ge [sflag:s11], $0x2800  }
0x19: {  	[sflag:s11] =	ssyncset.done $0x0  }
0x1a: {  	[sflag:s11] =	ssyncadd.s32 $0xFFFFD800  }
0x1b: {  	s16 =	simm.s32 $0x0;
	[bflag:$0x0] =	sbarrier.arrive $0xFFFF  }
0x1c: {  	[spmem:s3] =	stream.indirect.scatter.add.f32 [tilespmem:s12], [sflag:$0x1], $0x80, s16, s13, $0xb8;
	[tilespmem:$0x1A800] =	vst v63  }
0x1d: {  	s24 =	simm.s32 $0x80  }
0x1e: {  	[spmem:s3] =	stream.indirect.scatter.add.f32 [tilespmem:s12], [sflag:$0x1], $0x80, s24, s13, $0xb8;
	[tilespmem:$0x1A800] =	vst v63  }
0x1f: {  	s25 =	simm.s32 $0x100  }
0x20: {  	[spmem:s3] =	stream.indirect.scatter.add.f32 [tilespmem:s12], [sflag:$0x1], $0x80, s25, s13, $0xb8;
	[tilespmem:$0x1A800] =	vst v63  }
0x21: {  	s26 =	simm.s32 $0x180  }
0x22: {  	[spmem:s3] =	stream.indirect.scatter.add.f32 [tilespmem:s12], [sflag:$0x1], $0x80, s26, s13, $0xb8;
	[tilespmem:$0x1A800] =	vst v63  }
0x23: {  	s28 =	simm.s32 $0x200  }
0x24: {  	[spmem:s3] =	stream.indirect.scatter.add.f32 [tilespmem:s12], [sflag:$0x1], $0x80, s28, s13, $0xb8;
	[tilespmem:$0x1A800] =	vst v63  }
0x25: {  	s29 =	simm.s32 $0x280  }
0x26: {  	[spmem:s3] =	stream.indirect.scatter.add.f32 [tilespmem:s12], [sflag:$0x1], $0x80, s29, s13, $0xb8;
	[tilespmem:$0x1A800] =	vst v63  }
0x27: {  	s30 =	simm.s32 $0x300  }
0x28: {  	[spmem:s3] =	stream.indirect.scatter.add.f32 [tilespmem:s12], [sflag:$0x1], $0x80, s30, s13, $0xb8;
	[tilespmem:$0x1A800] =	vst v63  }
0x29: {  	s31 =	simm.s32 $0x380  }
0x2a: {  	[spmem:s3] =	stream.indirect.scatter.add.f32 [tilespmem:s12], [sflag:$0x1], $0x80, s31, s13, $0xb8;
	[tilespmem:$0x1A800] =	vst v63  }
0x2b: {  	_ =	swait.ge [sflag:s14], $0x4000  }
0x2c: {  	[sflag:s14] =	ssyncset.done $0x0  }
0x2d: {  	[sflag:s14] =	ssyncadd.s32 $0xFFFFC000  }
0x2e: {  	_ =	swait.ge [sflag:s14], $0x4000  }
0x2f: {  	[sflag:s14] =	ssyncset.done $0x0  }
0x30: {  	[sflag:s14] =	ssyncadd.s32 $0xFFFFC000  }
0x31: {  	_ =	swait.ge [sflag:s14], $0x4000  }
0x32: {  	[sflag:s14] =	ssyncset.done $0x0  }
0x33: {  	[sflag:s14] =	ssyncadd.s32 $0xFFFFC000  }
0x34: {  	_ =	swait.ge [sflag:s14], $0x4000  }
0x35: {  	[sflag:s14] =	ssyncset.done $0x0  }
0x36: {  	[sflag:s14] =	ssyncadd.s32 $0xFFFFC000  }
0x37: {  	_ =	swait.ge [sflag:s14], $0x4000  }
0x38: {  	[sflag:s14] =	ssyncset.done $0x0  }
0x39: {  	[sflag:s14] =	ssyncadd.s32 $0xFFFFC000  }
0x3a: {  	_ =	swait.ge [sflag:s14], $0x4000  }
0x3b: {  	[sflag:s14] =	ssyncset.done $0x0  }
0x3c: {  	[sflag:s14] =	ssyncadd.s32 $0xFFFFC000  }
0x3d: {  	_ =	swait.ge [sflag:s14], $0x4000  }
0x3e: {  	[sflag:s14] =	ssyncset.done $0x0  }
0x3f: {  	[sflag:s14] =	ssyncadd.s32 $0xFFFFC000  }
0x40: {  	_ =	swait.ge [sflag:s14], $0x4000  }
0x41: {  	s18 =	simm.s32 $0x2000;
	s16 =	simm.s32 $0x1000;
	[sflag:s14] =	ssyncset.done $0x0  }
.LBB2_2:
0x42: {  	s19 =	sshra.s32 s16, $0x2  }
0x43: {  	[sflag:s14] =	ssyncadd.s32 $0xFFFFC000;
	s16 =	smov.u32 s18;
	s17 =	sadd.s32 $0x1000, s18  }
0x44: {  	[spmem:s3] =	stream.indirect.scatter.add.f32 [tilespmem:s12], [sflag:$0x1], $0x80, s19, s13, $0xb8;
	[tilespmem:$0x1A800] =	vst v63  }
0x45: {  	p0 =	sne.s32 s18, $0x9000;
	s18 =	sadd.s32 $0x80, s19  }
0x46: {  	[spmem:s3] =	stream.indirect.scatter.add.f32 [tilespmem:s12], [sflag:$0x1], $0x80, s18, s13, $0xb8;
	[tilespmem:$0x1A800] =	vst v63  }
0x47: {  	s18 =	sadd.s32 $0x100, s19  }
0x48: {  	[spmem:s3] =	stream.indirect.scatter.add.f32 [tilespmem:s12], [sflag:$0x1], $0x80, s18, s13, $0xb8;
	[tilespmem:$0x1A800] =	vst v63  }
0x49: {  	s18 =	sadd.s32 $0x180, s19  }
0x4a: {  	[spmem:s3] =	stream.indirect.scatter.add.f32 [tilespmem:s12], [sflag:$0x1], $0x80, s18, s13, $0xb8;
	[tilespmem:$0x1A800] =	vst v63  }
0x4b: {  	s18 =	sadd.s32 $0x200, s19  }
0x4c: {  	[spmem:s3] =	stream.indirect.scatter.add.f32 [tilespmem:s12], [sflag:$0x1], $0x80, s18, s13, $0xb8;
	[tilespmem:$0x1A800] =	vst v63  }
0x4d: {  	s18 =	sadd.s32 $0x280, s19  }
0x4e: {  	[spmem:s3] =	stream.indirect.scatter.add.f32 [tilespmem:s12], [sflag:$0x1], $0x80, s18, s13, $0xb8;
	[tilespmem:$0x1A800] =	vst v63  }
0x4f: {  	s18 =	sadd.s32 $0x300, s19  }
0x50: {  	[spmem:s3] =	stream.indirect.scatter.add.f32 [tilespmem:s12], [sflag:$0x1], $0x80, s18, s13, $0xb8;
	[tilespmem:$0x1A800] =	vst v63  }
0x51: {  	s18 =	sadd.s32 $0x380, s19  }
0x52: {  	[spmem:s3] =	stream.indirect.scatter.add.f32 [tilespmem:s12], [sflag:$0x1], $0x80, s18, s13, $0xb8;
	[tilespmem:$0x1A800] =	vst v63  }
0x53: {  	_ =	swait.ge [sflag:s14], $0x4000  }
0x54: {  	[sflag:s14] =	ssyncset.done $0x0  }
0x55: {  	[sflag:s14] =	ssyncadd.s32 $0xFFFFC000  }
0x56: {  	_ =	swait.ge [sflag:s14], $0x4000  }
0x57: {  	[sflag:s14] =	ssyncset.done $0x0  }
0x58: {  	[sflag:s14] =	ssyncadd.s32 $0xFFFFC000  }
0x59: {  	_ =	swait.ge [sflag:s14], $0x4000  }
0x5a: {  	[sflag:s14] =	ssyncset.done $0x0  }
0x5b: {  	[sflag:s14] =	ssyncadd.s32 $0xFFFFC000  }
0x5c: {  	_ =	swait.ge [sflag:s14], $0x4000  }
0x5d: {  	[sflag:s14] =	ssyncset.done $0x0  }
0x5e: {  	[sflag:s14] =	ssyncadd.s32 $0xFFFFC000  }
0x5f: {  	_ =	swait.ge [sflag:s14], $0x4000  }
0x60: {  	[sflag:s14] =	ssyncset.done $0x0  }
0x61: {  	[sflag:s14] =	ssyncadd.s32 $0xFFFFC000  }
0x62: {  	_ =	swait.ge [sflag:s14], $0x4000  }
0x63: {  	[sflag:s14] =	ssyncset.done $0x0  }
0x64: {  	[sflag:s14] =	ssyncadd.s32 $0xFFFFC000  }
.Ltmp0:
0x65: {  	_ =	swait.ge [sflag:s14], $0x4000;
	(pc) =	sbr.rel @p0 .LBB2_2-.Ltmp0, $4  }
0x66: {  	[sflag:s14] =	ssyncset.done $0x0  }
0x67: {  	[sflag:s14] =	ssyncadd.s32 $0xFFFFC000  }
0x68: {  	_ =	swait.ge [sflag:s14], $0x4000  }
0x69: {  	s18 =	smov.u32 s17;
	[sflag:s14] =	ssyncset.done $0x0  }
0x6a: {  	s16 =	sshra.s32 s16, $0x2;
	[sflag:s14] =	ssyncadd.s32 $0xFFFFC000  }
0x6b: {  	[spmem:s3] =	stream.indirect.scatter.add.f32 [tilespmem:s12], [sflag:$0x1], $0x80, s16, s13, $0xb8;
	[tilespmem:$0x1A800] =	vst v63  }
0x6c: {  	s17 =	sadd.s32 $0x80, s16  }
0x6d: {  	[spmem:s3] =	stream.indirect.scatter.add.f32 [tilespmem:s12], [sflag:$0x1], $0x80, s17, s13, $0xb8;
	[tilespmem:$0x1A800] =	vst v63  }
0x6e: {  	s26 =	sadd.s32 $0x100, s16  }
0x6f: {  	[spmem:s3] =	stream.indirect.scatter.add.f32 [tilespmem:s12], [sflag:$0x1], $0x80, s26, s13, $0xb8;
	[tilespmem:$0x1A800] =	vst v63  }
0x70: {  	s28 =	sadd.s32 $0x180, s16  }
0x71: {  	[spmem:s3] =	stream.indirect.scatter.add.f32 [tilespmem:s12], [sflag:$0x1], $0x80, s28, s13, $0xb8;
	[tilespmem:$0x1A800] =	vst v63  }
0x72: {  	s29 =	sadd.s32 $0x200, s16  }
0x73: {  	[spmem:s3] =	stream.indirect.scatter.add.f32 [tilespmem:s12], [sflag:$0x1], $0x80, s29, s13, $0xb8;
	[tilespmem:$0x1A800] =	vst v63  }
0x74: {  	s30 =	sadd.s32 $0x280, s16  }
0x75: {  	[spmem:s3] =	stream.indirect.scatter.add.f32 [tilespmem:s12], [sflag:$0x1], $0x80, s30, s13, $0xb8;
	[tilespmem:$0x1A800] =	vst v63  }
0x76: {  	s31 =	sadd.s32 $0x300, s16  }
0x77: {  	[spmem:s3] =	stream.indirect.scatter.add.f32 [tilespmem:s12], [sflag:$0x1], $0x80, s31, s13, $0xb8;
	[tilespmem:$0x1A800] =	vst v63  }
0x78: {  	s16 =	sadd.s32 $0x380, s16  }
0x79: {  	[spmem:s3] =	stream.indirect.scatter.add.f32 [tilespmem:s12], [sflag:$0x1], $0x80, s16, s13, $0xb8;
	[tilespmem:$0x1A800] =	vst v63  }
0x7a: {  	_ =	swait.ge [sflag:s14], $0x4000  }
0x7b: {  	[sflag:s14] =	ssyncset.done $0x0  }
0x7c: {  	[sflag:s14] =	ssyncadd.s32 $0xFFFFC000  }
0x7d: {  	_ =	swait.ge [sflag:s14], $0x4000  }
0x7e: {  	[sflag:s14] =	ssyncset.done $0x0  }
0x7f: {  	[sflag:s14] =	ssyncadd.s32 $0xFFFFC000  }
0x80: {  	_ =	swait.ge [sflag:s14], $0x4000  }
0x81: {  	[sflag:s14] =	ssyncset.done $0x0  }
0x82: {  	[sflag:s14] =	ssyncadd.s32 $0xFFFFC000  }
0x83: {  	_ =	swait.ge [sflag:s14], $0x4000  }
0x84: {  	[sflag:s14] =	ssyncset.done $0x0  }
0x85: {  	[sflag:s14] =	ssyncadd.s32 $0xFFFFC000  }
0x86: {  	_ =	swait.ge [sflag:s14], $0x4000  }
0x87: {  	[sflag:s14] =	ssyncset.done $0x0  }
0x88: {  	[sflag:s14] =	ssyncadd.s32 $0xFFFFC000  }
0x89: {  	_ =	swait.ge [sflag:s14], $0x4000  }
0x8a: {  	[sflag:s14] =	ssyncset.done $0x0  }
0x8b: {  	[sflag:s14] =	ssyncadd.s32 $0xFFFFC000  }
0x8c: {  	_ =	swait.ge [sflag:s14], $0x4000  }
0x8d: {  	[sflag:s14] =	ssyncset.done $0x0  }
0x8e: {  	[sflag:s14] =	ssyncadd.s32 $0xFFFFC000  }
0x8f: {  	_ =	swait.ge [sflag:s14], $0x4000  }
0x90: {  	s15 =	sadd.s32 $0x1, s15;
	[sflag:s14] =	ssyncset.done $0x0  }
0x91: {  	p0 =	sne.s32 s15, s9;
	[sflag:s14] =	ssyncadd.s32 $0xFFFFC000  }
.Ltmp1:
0x92: {  	[bflag:$0x0] =	sbarrier.arrive $0xFFFF;
	(pc) =	sbr.rel @p0 .LBB2_1-.Ltmp1, $4  }
0x93: {  	[hbm:s8], [sflag:s6] =	dma.local [spmem:s10], $0x2800  }
0x94: {  	_ =	swait.ge [sflag:s11], $0x2800  }
0x95: {  	[sflag:s11] =	ssyncset.done $0x0  }
0x96: {  	[sflag:s11] =	ssyncadd.s32 $0xFFFFD800  }
0x97: {  	_ =	sfence.sel $0x180000  }
0x98: {  	[bflag:$0x0] =	sbarrier.arrive $0xFFFF  }
0x99: {  	p0 =	sne.s32 s2, $0x0;
	_ =	strace $0x9000004A  }
0x9a: {  	s0 =	sadd.s32 @!p0 $0x100000, s0;
	[bflag:$0x2] =	sbarrier.arrive $0xFFFF  }
0x9b: {  	[sflag:s0] =	ssyncadd.tile.s32 @!p0 $0x1;
	_ =	shalt  }
.Lfunc_end2:
_tile_overlayer_lowered:
.L_overlay_start_2:
0x9c: {  	(tag) =	ssettag $0x2  }
0x9d: {  	s0 =	rddreg [dreg:$0x0];
	s2 =	stileid.u32  }
0x9e: {  	s1 =	rddreg [dreg:$0x1];
	p0 =	sne.s32 s2, $0x0  }
0x9f: {  	s3 =	rddreg [dreg:$0x2];
	[bflag:$0x3] =	sbarrier.arrive $0xFFFF;
	s2 =	simm.s32 @!p0 $0x1C02  }
0xa0: {  	[timem:s3], [sflag:s2] =	dma.local @!p0 [hbm:s0], s1  }
0xa1: {  	s0 =	simm.s32 @!p0 $0x2  }
0xa2: {  	_ =	swait.ge @!p0 [sflag:s0], s1  }
0xa3: {  	s1 =	ssub.s32 @!p0 $0x0, s1;
	[sflag:s0] =	ssyncset.done @!p0 $0x0  }
0xa4: {  	[sflag:s0] =	ssyncadd.s32 @!p0 s1  }
0xa5: {  	[bflag:$0x3] =	sbarrier.arrive $0xFFFF  }
0xa6: {  	_ =	shalt  }

</sc_bundles>
